<compile_context>
chip_gen: v7x
topology: tpu7x:2x2x1
jax: 0.10.2.dev20260603
libtpu: 0.0.44.dev20260713+nightly
codegen_flags: <defaults>
</compile_context>

<pallas_src>
import functools

import jax
import jax.numpy as jnp
from jax import lax
from jax.experimental import pallas as pl
from jax.experimental.pallas import tpu as pltpu
from jax.experimental.pallas import tpu_sc as plsc

N = 10000
D = 128
E = 320000

NW = 32
NP = 10240
ECHUNK = 64
EROWS = E // ECHUNK
EROWS_PAD = 5120
RPW = EROWS_PAD // NW
PAD_DST = NP - 8
ROWS_PER_SUB = NP // 16

NB = 1000
GRID = N // NB
CW = 128


_MESH = plsc.VectorSubcoreMesh(core_axis_name="c", subcore_axis_name="s")


def _sc_scatter_body(table, srcr, dstr, ssum_out, src_v, dst_v, rows_v,
                     acc_sh, sem):
  c = lax.axis_index("c")
  s = lax.axis_index("s")
  wid = s * 2 + c

  pltpu.sync_copy(srcr.at[pl.ds(wid * RPW, RPW)], src_v)
  pltpu.sync_copy(dstr.at[pl.ds(wid * RPW, RPW)], dst_v)

  zero16 = jnp.zeros((16,), jnp.float32)

  def zbody(i, carry):
    rows_v[i // 8, pl.ds((i % 8) * 16, 16)] = zero16
    return carry

  lax.fori_loop(0, ECHUNK * 8, zbody, 0)

  def zcpy(k, carry):
    pltpu.sync_copy(
        rows_v, acc_sh.at[pl.ds(s * ROWS_PER_SUB + k * ECHUNK, ECHUNK)])
    return carry

  lax.fori_loop(0, ROWS_PER_SUB // ECHUNK, zcpy, 0)

  plsc.subcore_barrier()

  def ebody(j, carry):
    pltpu.async_copy(table.at[src_v.at[j]], rows_v, sem).wait()
    pltpu.sync_copy(rows_v, acc_sh.at[dst_v.at[j]], add=True)
    return carry

  lax.fori_loop(0, RPW, ebody, 0)

  plsc.subcore_barrier()

  def obody(k, carry):
    r0 = s * ROWS_PER_SUB + k * 128
    pltpu.sync_copy(acc_sh.at[pl.ds(r0, 128)], ssum_out.at[c, pl.ds(r0, 128)])
    return carry

  lax.fori_loop(0, ROWS_PER_SUB // 128, obody, 0)


_sc_scatter = functools.partial(
    pl.kernel, mesh=_MESH,
    out_type=[jax.ShapeDtypeStruct((2, NP, D), jnp.float32)],
    scratch_types=[
        pltpu.VMEM((RPW, ECHUNK), jnp.int32),
        pltpu.VMEM((RPW, ECHUNK), jnp.int32),
        pltpu.VMEM((ECHUNK, D), jnp.float32),
        pltpu.VMEM_SHARED((NP, D), jnp.float32),
        pltpu.SemaphoreType.DMA,
    ])(_sc_scatter_body)


def _sc_count_body(dstr, cnt_out, dst_v, ones_v, zc_v, cnt_sh):
  c = lax.axis_index("c")
  s = lax.axis_index("s")
  wid = s * 2 + c

  pltpu.sync_copy(dstr.at[pl.ds(wid * RPW, RPW)], dst_v)

  zero16 = jnp.zeros((16,), jnp.float32)
  ones16 = jnp.ones((16,), jnp.float32)

  def cinit(i, carry):
    ones_v[i // 8, pl.ds((i % 8) * 16, 16)] = ones16
    zc_v[i // 8, pl.ds((i % 8) * 16, 16)] = zero16
    return carry

  lax.fori_loop(0, ECHUNK * 8, cinit, 0)

  def ccpy(k, carry):
    pltpu.sync_copy(
        zc_v, cnt_sh.at[pl.ds(s * ROWS_PER_SUB + k * ECHUNK, ECHUNK)])
    return carry

  lax.fori_loop(0, ROWS_PER_SUB // ECHUNK, ccpy, 0)

  plsc.subcore_barrier()

  def ebody(j, carry):
    pltpu.sync_copy(ones_v, cnt_sh.at[dst_v.at[j]], add=True)
    return carry

  lax.fori_loop(0, RPW, ebody, 0)

  plsc.subcore_barrier()

  def obody(k, carry):
    r0 = s * ROWS_PER_SUB + k * 128
    pltpu.sync_copy(cnt_sh.at[pl.ds(r0, 128)], cnt_out.at[c, pl.ds(r0, 128)])
    return carry

  lax.fori_loop(0, ROWS_PER_SUB // 128, obody, 0)


_sc_count = functools.partial(
    pl.kernel, mesh=_MESH,
    out_type=[jax.ShapeDtypeStruct((2, NP, CW), jnp.float32)],
    scratch_types=[
        pltpu.VMEM((RPW, ECHUNK), jnp.int32),
        pltpu.VMEM((ECHUNK, CW), jnp.float32),
        pltpu.VMEM((ECHUNK, CW), jnp.float32),
        pltpu.VMEM_SHARED((NP, CW), jnp.float32),
    ])(_sc_count_body)


def _lin_body(sp, cp, xr, wl, wr, b, z_out, st_out, acc):
  i = pl.program_id(0)
  parts = sp[...]
  ssum = parts[0] + parts[1]
  cnt = cp[0, :, 0:1] + cp[1, :, 0:1]
  inv = 1.0 / jnp.maximum(cnt, 1.0)
  agg = ssum * inv
  z = (jnp.dot(agg, wl[...], preferred_element_type=jnp.float32)
       + jnp.dot(xr[...], wr[...], preferred_element_type=jnp.float32)
       + b[...])
  z_out[...] = z
  ps = jnp.sum(z)
  pq = jnp.sum(z * z)

  @pl.when(i == 0)
  def _():
    acc[0] = ps
    acc[1] = pq

  @pl.when(i > 0)
  def _():
    acc[0] += ps
    acc[1] += pq

  @pl.when(i == pl.num_programs(0) - 1)
  def _():
    row = lax.broadcasted_iota(jnp.int32, (8, 128), 0)
    st_out[...] = jnp.where(row == 0, acc[0],
                            jnp.where(row == 1, acc[1], 0.0))


def _lin_call(ssum_parts, cnt_t, xr, wl_t, wr_t, b2d):
  return pl.pallas_call(
      _lin_body,
      grid=(GRID,),
      in_specs=[
          pl.BlockSpec((2, NB, D), lambda i: (0, i, 0)),
          pl.BlockSpec((2, NB, CW), lambda i: (0, i, 0)),
          pl.BlockSpec((NB, D), lambda i: (i, 0)),
          pl.BlockSpec((D, D), lambda i: (0, 0)),
          pl.BlockSpec((D, D), lambda i: (0, 0)),
          pl.BlockSpec((1, D), lambda i: (0, 0)),
      ],
      out_specs=[
          pl.BlockSpec((NB, D), lambda i: (i, 0)),
          pl.BlockSpec((8, 128), lambda i: (0, 0)),
      ],
      out_shape=[
          jax.ShapeDtypeStruct((N, D), jnp.float32),
          jax.ShapeDtypeStruct((8, 128), jnp.float32),
      ],
      scratch_shapes=[pltpu.SMEM((2,), jnp.float32)],
  )(ssum_parts, cnt_t, xr, wl_t, wr_t, b2d)


_INV_ND = 1.0 / (N * D)


def _ln_body(z, st, w, b, o):
  s1 = jnp.sum(st[0:1, 0:1])
  s2 = jnp.sum(st[1:2, 0:1])
  m = s1 * _INV_ND
  var = s2 * _INV_ND - m * m
  std = jnp.sqrt(jnp.maximum(var, 0.0))
  rd = 1.0 / (std + 1e-5)
  o[...] = jnp.maximum((z[...] - m) * rd * w[...] + b[...], 0.0)


def _ln_res_body(z, st, w, b, res, o):
  s1 = jnp.sum(st[0:1, 0:1])
  s2 = jnp.sum(st[1:2, 0:1])
  m = s1 * _INV_ND
  var = s2 * _INV_ND - m * m
  std = jnp.sqrt(jnp.maximum(var, 0.0))
  rd = 1.0 / (std + 1e-5)
  o[...] = jnp.maximum((z[...] - m) * rd * w[...] + b[...], 0.0) + res[...]


def _ln_call(z, st, w2d, b2d, res=None):
  blk = pl.BlockSpec((NB, D), lambda i: (i, 0))
  in_specs = [
      blk,
      pl.BlockSpec((8, 128), lambda i: (0, 0)),
      pl.BlockSpec((1, D), lambda i: (0, 0)),
      pl.BlockSpec((1, D), lambda i: (0, 0)),
  ]
  args = [z, st, w2d, b2d]
  body = _ln_body
  if res is not None:
    in_specs.append(blk)
    args.append(res)
    body = _ln_res_body
  return pl.pallas_call(
      body,
      grid=(GRID,),
      in_specs=in_specs,
      out_specs=blk,
      out_shape=jax.ShapeDtypeStruct((N, D), jnp.float32),
  )(*args)


def kernel(x, edge_index, Wl1, bl1, Wr1, ln1_w, ln1_b, Wl2, bl2, Wr2, ln2_w, ln2_b):
  src = edge_index[0]
  dst = edge_index[1]
  pad = EROWS_PAD * ECHUNK - E
  src_p = jnp.concatenate(
      [src, jnp.zeros((pad,), jnp.int32)]).reshape(EROWS_PAD, ECHUNK)
  dst_p = jnp.concatenate(
      [dst, jnp.full((pad,), PAD_DST, jnp.int32)]).reshape(EROWS_PAD, ECHUNK)

  wl1_t = Wl1.T
  wr1_t = Wr1.T
  wl2_t = Wl2.T
  wr2_t = Wr2.T
  bl1_2 = bl1.reshape(1, D)
  bl2_2 = bl2.reshape(1, D)
  ln1w = ln1_w.reshape(1, D)
  ln1b = ln1_b.reshape(1, D)
  ln2w = ln2_w.reshape(1, D)
  ln2b = ln2_b.reshape(1, D)

  (cnt_parts,) = _sc_count(dst_p)
  (ssum1,) = _sc_scatter(x, src_p, dst_p)

  z1, st1 = _lin_call(ssum1, cnt_parts, x, wl1_t, wr1_t, bl1_2)
  h1 = _ln_call(z1, st1, ln1w, ln1b)

  (ssum2,) = _sc_scatter(h1, src_p, dst_p)
  z2, st2 = _lin_call(ssum2, cnt_parts, h1, wl2_t, wr2_t, bl2_2)
  out = _ln_call(z2, st2, ln2w, ln2b, res=x)

  return (out, edge_index)

# --- scband reference (transcript-rebuilt; emitter-appended) ---
"""Pipeline reference for scband-gcn-sage-residual-11914239279204 (READ-ONLY COPY).

The authoritative reference and input builder live on the scoring server;
editing this copy changes nothing except your own understanding.
"""

import jax, jax.numpy as jnp
import numpy as np

N = 10000
D = 128
E = 320000


def setup_inputs(seed: int = 0) -> dict:
    key = jax.random.key(seed)
    ks = jax.random.split(key, 8)
    s = 1.0 / np.sqrt(D)
    return {
        "x": jax.random.normal(ks[0], (N, D), dtype=jnp.float32),
        "edge_index": jax.random.randint(ks[1], (2, E), 0, N, dtype=jnp.int32),
        "Wl1": jax.random.normal(ks[2], (D, D), dtype=jnp.float32) * s,
        "bl1": jnp.zeros((D,), dtype=jnp.float32),
        "Wr1": jax.random.normal(ks[3], (D, D), dtype=jnp.float32) * s,
        "ln1_w": jnp.ones((D,), dtype=jnp.float32),
        "ln1_b": jnp.zeros((D,), dtype=jnp.float32),
        "Wl2": jax.random.normal(ks[4], (D, D), dtype=jnp.float32) * s,
        "bl2": jnp.zeros((D,), dtype=jnp.float32),
        "Wr2": jax.random.normal(ks[5], (D, D), dtype=jnp.float32) * s,
        "ln2_w": jnp.ones((D,), dtype=jnp.float32),
        "ln2_b": jnp.zeros((D,), dtype=jnp.float32),
    }


def _sage_conv_mean(x, src, dst, Wl, bl, Wr):
    # PyG SAGEConv(aggr='mean'): out = lin_l(mean_{j->i} x_j) + lin_r(x_i)
    msg = jnp.take(x, src, axis=0)
    ssum = jax.ops.segment_sum(msg, dst, num_segments=N)
    cnt = jax.ops.segment_sum(jnp.ones((src.shape[0],), dtype=jnp.float32), dst, num_segments=N)
    agg = ssum / jnp.clip(cnt, 1.0)[:, None]
    return agg @ Wl.T + bl + x @ Wr.T


def _pyg_graph_layernorm(x, w, b, eps=1e-5):
    # torch_geometric.nn.norm.LayerNorm default mode='graph', batch=None:
    # normalize over ALL nodes and features of the (single) graph.
    xc = x - jnp.mean(x)
    out = xc / (jnp.std(xc) + eps)
    return out * w + b


def reference(x, edge_index, Wl1, bl1, Wr1, ln1_w, ln1_b, Wl2, bl2, Wr2, ln2_w, ln2_b):
    src = edge_index[0]
    dst = edge_index[1]
    res = x
    h = _sage_conv_mean(x, src, dst, Wl1, bl1, Wr1)
    h = jax.nn.relu(_pyg_graph_layernorm(h, ln1_w, ln1_b))
    h = _sage_conv_mean(h, src, dst, Wl2, bl2, Wr2)
    h = jax.nn.relu(_pyg_graph_layernorm(h, ln2_w, ln2_b))
    return (h + res, edge_index)

if __name__ == "__main__":
    import jax
    _d = setup_inputs()
    print(jax.jit(kernel)(*tuple(_d.values())))

</pallas_src>

<mosaic_0001>
#map = affine_map<(d0, d1) -> (0, 0)>
#map1 = affine_map<(d0, d1) -> (0, 0, 0)>
module attributes {stable_mosaic.version = 14 : i64} {
  func.func @_sc_scatter_body(%arg0: i32, %arg1: i32, %arg2: memref<10000x128xf32, #tpu.memory_space<hbm>>, %arg3: memref<5120x64xi32, #tpu.memory_space<hbm>>, %arg4: memref<5120x64xi32, #tpu.memory_space<hbm>>, %arg5: memref<2x10240x128xf32, #tpu.memory_space<hbm>>, %arg6: memref<160x64xi32, #tpu.memory_space<vmem>>, %arg7: memref<160x64xi32, #tpu.memory_space<vmem>>, %arg8: memref<64x128xf32, #tpu.memory_space<vmem>>, %arg9: memref<10240x128xf32, #tpu.memory_space<vmem_shared>>, %arg10: memref<!tpu.dma_semaphore, #tpu.memory_space<semaphore_mem>>) attributes {dimension_semantics = [#tpu.dimension_semantics<core_parallel>, #tpu.dimension_semantics<subcore_parallel>], iteration_bounds = array<i64: 2, 16>, scalar_prefetch = 0 : i64, scratch_operands = 5 : i64, tpu.core_type = #tpu.core_type<sc_vector_subcore>, window_params = [{transform_indices = #map}, {transform_indices = #map}, {transform_indices = #map}, {transform_indices = #map1}]} {
    %mul3A = arith.constant 2 : i32
    %mul3A_0 = arith.muli %arg1, %mul3A : i32
    %add3A = arith.addi %mul3A_0, %arg0 : i32
    %mul3A_1 = arith.constant 160 : i32
    %mul3A_2 = arith.muli %add3A, %mul3A_1 : i32
    "tpu.region"() ({
      %run_scoped3A = tpu.sem_alloc : memref<!tpu.dma_semaphore, #tpu.memory_space<semaphore_mem>>
      %dma_start3A = arith.constant 0 : i32
      %dma_start3A_30 = tpu.memref_slice %arg3[%mul3A_2, %dma_start3A] : memref<5120x64xi32, #tpu.memory_space<hbm>> -> memref<160x64xi32, #tpu.memory_space<hbm>>
      %dma_start3A_31 = arith.constant 0 : i32
      %dma_start3A_32 = tpu.memref_slice %arg3[%mul3A_2, %dma_start3A_31] : memref<5120x64xi32, #tpu.memory_space<hbm>> -> memref<160x64xi32, #tpu.memory_space<hbm>>
      tpu.enqueue_dma source(%dma_start3A_32 : memref<160x64xi32, #tpu.memory_space<hbm>>) target(%arg6 : memref<160x64xi32, #tpu.memory_space<vmem>>) target_semaphore(%run_scoped3A : memref<!tpu.dma_semaphore, #tpu.memory_space<semaphore_mem>>)
      %dma_wait3A = arith.constant 0 : i32
      %dma_wait3A_33 = tpu.memref_slice %arg3[%mul3A_2, %dma_wait3A] : memref<5120x64xi32, #tpu.memory_space<hbm>> -> memref<160x64xi32, #tpu.memory_space<hbm>>
      %dma_wait3A_34 = arith.constant 0 : i32
      %dma_wait3A_35 = tpu.memref_slice %arg3[%mul3A_2, %dma_wait3A_34] : memref<5120x64xi32, #tpu.memory_space<hbm>> -> memref<160x64xi32, #tpu.memory_space<hbm>>
      tpu.wait_dma2 semaphore(%run_scoped3A : memref<!tpu.dma_semaphore, #tpu.memory_space<semaphore_mem>>) src(%dma_wait3A_35 : memref<160x64xi32, #tpu.memory_space<hbm>>) dst(%arg6 : memref<160x64xi32, #tpu.memory_space<vmem>>)
      tpu.yield
    }) : () -> ()
    %mul3A_3 = arith.constant 160 : i32
    %mul3A_4 = arith.muli %add3A, %mul3A_3 : i32
    "tpu.region"() ({
      %run_scoped3A = tpu.sem_alloc : memref<!tpu.dma_semaphore, #tpu.memory_space<semaphore_mem>>
      %dma_start3A = arith.constant 0 : i32
      %dma_start3A_30 = tpu.memref_slice %arg4[%mul3A_4, %dma_start3A] : memref<5120x64xi32, #tpu.memory_space<hbm>> -> memref<160x64xi32, #tpu.memory_space<hbm>>
      %dma_start3A_31 = arith.constant 0 : i32
      %dma_start3A_32 = tpu.memref_slice %arg4[%mul3A_4, %dma_start3A_31] : memref<5120x64xi32, #tpu.memory_space<hbm>> -> memref<160x64xi32, #tpu.memory_space<hbm>>
      tpu.enqueue_dma source(%dma_start3A_32 : memref<160x64xi32, #tpu.memory_space<hbm>>) target(%arg7 : memref<160x64xi32, #tpu.memory_space<vmem>>) target_semaphore(%run_scoped3A : memref<!tpu.dma_semaphore, #tpu.memory_space<semaphore_mem>>)
      %dma_wait3A = arith.constant 0 : i32
      %dma_wait3A_33 = tpu.memref_slice %arg4[%mul3A_4, %dma_wait3A] : memref<5120x64xi32, #tpu.memory_space<hbm>> -> memref<160x64xi32, #tpu.memory_space<hbm>>
      %dma_wait3A_34 = arith.constant 0 : i32
      %dma_wait3A_35 = tpu.memref_slice %arg4[%mul3A_4, %dma_wait3A_34] : memref<5120x64xi32, #tpu.memory_space<hbm>> -> memref<160x64xi32, #tpu.memory_space<hbm>>
      tpu.wait_dma2 semaphore(%run_scoped3A : memref<!tpu.dma_semaphore, #tpu.memory_space<semaphore_mem>>) src(%dma_wait3A_35 : memref<160x64xi32, #tpu.memory_space<hbm>>) dst(%arg7 : memref<160x64xi32, #tpu.memory_space<vmem>>)
      tpu.yield
    }) : () -> ()
    %broadcast_in_dim3A = arith.constant 0.000000e+00 : f32
    %broadcast_in_dim3A_5 = vector.broadcast %broadcast_in_dim3A : f32 to vector<16xf32>
    %scan3A = arith.constant 0 : i32
    %scan3A_6 = arith.constant 0 : i32
    %scan3A_7 = arith.constant 512 : i32
    %scan3A_8 = arith.addi %scan3A_6, %scan3A_7 : i32
    %scan3A_9 = arith.constant 1 : i32
    scf.for %scan3A_30 = %scan3A_6 to %scan3A_8 step %scan3A_9  : i32 {
      %jit3A = arith.constant 8 : i32
      %div3A = arith.divsi %scan3A_30, %jit3A : i32
      %sign3A = arith.constant 0 : i32
      %sign3A_31 = arith.cmpi sgt, %scan3A_30, %sign3A : i32
      %sign3A_32 = arith.extui %sign3A_31 : i1 to i32
      %sign3A_33 = arith.constant 0 : i32
      %sign3A_34 = arith.cmpi slt, %scan3A_30, %sign3A_33 : i32
      %sign3A_35 = arith.extui %sign3A_34 : i1 to i32
      %sign3A_36 = arith.subi %sign3A_32, %sign3A_35 : i32
      %sign3A_37 = arith.constant 0 : i32
      %sign3A_38 = arith.cmpi sgt, %jit3A, %sign3A_37 : i32
      %sign3A_39 = arith.extui %sign3A_38 : i1 to i32
      %sign3A_40 = arith.constant 0 : i32
      %sign3A_41 = arith.cmpi slt, %jit3A, %sign3A_40 : i32
      %sign3A_42 = arith.extui %sign3A_41 : i1 to i32
      %sign3A_43 = arith.subi %sign3A_39, %sign3A_42 : i32
      %ne3A = arith.cmpi ne, %sign3A_36, %sign3A_43 : i32
      %rem3A = arith.remsi %scan3A_30, %jit3A : i32
      %ne3A_44 = arith.constant 0 : i32
      %ne3A_45 = arith.cmpi ne, %rem3A, %ne3A_44 : i32
      %and3A = arith.andi %ne3A, %ne3A_45 : i1
      %sub3A = arith.constant 1 : i32
      %sub3A_46 = arith.subi %div3A, %sub3A : i32
      %select_n3A = arith.select %and3A, %sub3A_46, %div3A : i32
      %jit3A_47 = arith.constant 8 : i32
      %eq3A = arith.constant 0 : i32
      %eq3A_48 = arith.cmpi eq, %jit3A_47, %eq3A : i32
      %jit3A_49 = arith.constant 1 : i32
      %select_n3A_50 = arith.select %eq3A_48, %jit3A_49, %jit3A_47 : i32
      %rem3A_51 = arith.remsi %scan3A_30, %select_n3A_50 : i32
      %ne3A_52 = arith.constant 0 : i32
      %ne3A_53 = arith.cmpi ne, %rem3A_51, %ne3A_52 : i32
      %lt3A = arith.constant 0 : i32
      %lt3A_54 = arith.cmpi slt, %rem3A_51, %lt3A : i32
      %lt3A_55 = arith.constant 0 : i32
      %lt3A_56 = arith.cmpi slt, %select_n3A_50, %lt3A_55 : i32
      %ne3A_57 = arith.xori %lt3A_54, %lt3A_56 : i1
      %and3A_58 = arith.andi %ne3A_57, %ne3A_53 : i1
      %add3A_59 = arith.addi %rem3A_51, %select_n3A_50 : i32
      %select_n3A_60 = arith.select %and3A_58, %add3A_59, %rem3A_51 : i32
      %mul3A_61 = arith.constant 16 : i32
      %mul3A_62 = arith.muli %select_n3A_60, %mul3A_61 : i32
      %swap3A = arith.index_cast %select_n3A : i32 to index
      %swap3A_63 = arith.index_cast %mul3A_62 : i32 to index
      %swap3A_64 = tpu.vector_load %arg8[%swap3A, %swap3A_63] {strides = array<i32>} : memref<64x128xf32, #tpu.memory_space<vmem>>, vector<1x16xf32>,
      %swap3A_65 = vector.shape_cast %swap3A_64 : vector<1x16xf32> to vector<16xf32>
      %swap3A_66 = vector.shape_cast %broadcast_in_dim3A_5 : vector<16xf32> to vector<1x16xf32>
      tpu.vector_store %arg8[%swap3A, %swap3A_63], %swap3A_66 {strides = array<i32>} : memref<64x128xf32, #tpu.memory_space<vmem>>, vector<1x16xf32>,
    }
    %scan3A_10 = arith.constant 512 : i32
    %scan3A_11 = arith.constant 0 : i32
    %scan3A_12 = arith.constant 0 : i32
    %scan3A_13 = arith.constant 10 : i32
    %scan3A_14 = arith.addi %scan3A_12, %scan3A_13 : i32
    %scan3A_15 = arith.constant 1 : i32
    scf.for %scan3A_30 = %scan3A_12 to %scan3A_14 step %scan3A_15  : i32 {
      %mul3A_31 = arith.constant 640 : i32
      %mul3A_32 = arith.muli %arg1, %mul3A_31 : i32
      %mul3A_33 = arith.constant 64 : i32
      %mul3A_34 = arith.muli %scan3A_30, %mul3A_33 : i32
      %add3A_35 = arith.addi %mul3A_32, %mul3A_34 : i32
      "tpu.region"() ({
        %run_scoped3A = tpu.sem_alloc : memref<!tpu.dma_semaphore, #tpu.memory_space<semaphore_mem>>
        %dma_start3A = arith.constant 0 : i32
        %dma_start3A_36 = tpu.memref_slice %arg9[%add3A_35, %dma_start3A] : memref<10240x128xf32, #tpu.memory_space<vmem_shared>> -> memref<64x128xf32, #tpu.memory_space<vmem_shared>>
        %dma_start3A_37 = arith.constant 0 : i32
        %dma_start3A_38 = tpu.memref_slice %arg9[%add3A_35, %dma_start3A_37] : memref<10240x128xf32, #tpu.memory_space<vmem_shared>> -> memref<64x128xf32, #tpu.memory_space<vmem_shared>>
        tpu.enqueue_dma source(%arg8 : memref<64x128xf32, #tpu.memory_space<vmem>>) target(%dma_start3A_38 : memref<64x128xf32, #tpu.memory_space<vmem_shared>>) target_semaphore(%run_scoped3A : memref<!tpu.dma_semaphore, #tpu.memory_space<semaphore_mem>>)
        %dma_wait3A = arith.constant 0 : i32
        %dma_wait3A_39 = tpu.memref_slice %arg9[%add3A_35, %dma_wait3A] : memref<10240x128xf32, #tpu.memory_space<vmem_shared>> -> memref<64x128xf32, #tpu.memory_space<vmem_shared>>
        %dma_wait3A_40 = arith.constant 0 : i32
        %dma_wait3A_41 = tpu.memref_slice %arg9[%add3A_35, %dma_wait3A_40] : memref<10240x128xf32, #tpu.memory_space<vmem_shared>> -> memref<64x128xf32, #tpu.memory_space<vmem_shared>>
        tpu.wait_dma2 semaphore(%run_scoped3A : memref<!tpu.dma_semaphore, #tpu.memory_space<semaphore_mem>>) src(%arg8 : memref<64x128xf32, #tpu.memory_space<vmem>>) dst(%dma_wait3A_41 : memref<64x128xf32, #tpu.memory_space<vmem_shared>>)
        tpu.yield
      }) : () -> ()
    }
    %scan3A_16 = arith.constant 10 : i32
    %barrier3A = arith.constant 0 : index
    tpu.barrier barrier_id(%barrier3A)
    %scan3A_17 = arith.constant 0 : i32
    %scan3A_18 = arith.constant 0 : i32
    %scan3A_19 = arith.constant 160 : i32
    %scan3A_20 = arith.addi %scan3A_18, %scan3A_19 : i32
    %scan3A_21 = arith.constant 1 : i32
    scf.for %scan3A_30 = %scan3A_18 to %scan3A_20 step %scan3A_21  : i32 {
      %dma_start3A = arith.constant 0 : i32
      %dma_start3A_31 = tpu.memref_slice %arg6[%scan3A_30, %dma_start3A] : memref<160x64xi32, #tpu.memory_space<vmem>> -> memref<1x64xi32, #tpu.memory_space<vmem>>
      %dma_start3A_32 = tpu.memref_squeeze %dma_start3A_31 : memref<1x64xi32, #tpu.memory_space<vmem>> -> memref<64xi32, #tpu.memory_space<vmem>>
      %dma_start3A_33 = arith.constant 0 : i32
      %dma_start3A_34 = arith.constant 0 : i32
      %dma_start3A_35 = tpu.memref_slice %arg2[%dma_start3A_33, %dma_start3A_34] : memref<10000x128xf32, #tpu.memory_space<hbm>> -> memref<10000x128xf32, #tpu.memory_space<hbm>>
      tpu.enqueue_indirect_dma source(%dma_start3A_35 : memref<10000x128xf32, #tpu.memory_space<hbm>>) target(%arg8 : memref<64x128xf32, #tpu.memory_space<vmem>>) offsets(%dma_start3A_32 : memref<64xi32, #tpu.memory_space<vmem>>) semaphore(%arg10 : memref<!tpu.dma_semaphore, #tpu.memory_space<semaphore_mem>>)
      %dma_wait3A = arith.constant 0 : i32
      %dma_wait3A_36 = tpu.memref_slice %arg6[%scan3A_30, %dma_wait3A] : memref<160x64xi32, #tpu.memory_space<vmem>> -> memref<1x64xi32, #tpu.memory_space<vmem>>
      %dma_wait3A_37 = tpu.memref_squeeze %dma_wait3A_36 : memref<1x64xi32, #tpu.memory_space<vmem>> -> memref<64xi32, #tpu.memory_space<vmem>>
      %dma_wait3A_38 = arith.constant 0 : i32
      %dma_wait3A_39 = arith.constant 0 : i32
      %dma_wait3A_40 = tpu.memref_slice %arg2[%dma_wait3A_38, %dma_wait3A_39] : memref<10000x128xf32, #tpu.memory_space<hbm>> -> memref<10000x128xf32, #tpu.memory_space<hbm>>
      tpu.wait_indirect_dma semaphore(%arg10 : memref<!tpu.dma_semaphore, #tpu.memory_space<semaphore_mem>>) src(%dma_wait3A_40 : memref<10000x128xf32, #tpu.memory_space<hbm>>) dst(%arg8 : memref<64x128xf32, #tpu.memory_space<vmem>>)
      "tpu.region"() ({
        %run_scoped3A = tpu.sem_alloc : memref<!tpu.dma_semaphore, #tpu.memory_space<semaphore_mem>>
        %dma_start3A_41 = arith.constant 0 : i32
        %dma_start3A_42 = tpu.memref_slice %arg7[%scan3A_30, %dma_start3A_41] : memref<160x64xi32, #tpu.memory_space<vmem>> -> memref<1x64xi32, #tpu.memory_space<vmem>>
        %dma_start3A_43 = tpu.memref_squeeze %dma_start3A_42 : memref<1x64xi32, #tpu.memory_space<vmem>> -> memref<64xi32, #tpu.memory_space<vmem>>
        %dma_start3A_44 = arith.constant 0 : i32
        %dma_start3A_45 = arith.constant 0 : i32
        %dma_start3A_46 = tpu.memref_slice %arg9[%dma_start3A_44, %dma_start3A_45] : memref<10240x128xf32, #tpu.memory_space<vmem_shared>> -> memref<10240x128xf32, #tpu.memory_space<vmem_shared>>
        tpu.enqueue_indirect_dma source(%arg8 : memref<64x128xf32, #tpu.memory_space<vmem>>) target(%dma_start3A_46 : memref<10240x128xf32, #tpu.memory_space<vmem_shared>>) offsets(%dma_start3A_43 : memref<64xi32, #tpu.memory_space<vmem>>) semaphore(%run_scoped3A : memref<!tpu.dma_semaphore, #tpu.memory_space<semaphore_mem>>) {add = true}
        %dma_wait3A_47 = arith.constant 0 : i32
        %dma_wait3A_48 = tpu.memref_slice %arg7[%scan3A_30, %dma_wait3A_47] : memref<160x64xi32, #tpu.memory_space<vmem>> -> memref<1x64xi32, #tpu.memory_space<vmem>>
        %dma_wait3A_49 = tpu.memref_squeeze %dma_wait3A_48 : memref<1x64xi32, #tpu.memory_space<vmem>> -> memref<64xi32, #tpu.memory_space<vmem>>
        %dma_wait3A_50 = arith.constant 0 : i32
        %dma_wait3A_51 = arith.constant 0 : i32
        %dma_wait3A_52 = tpu.memref_slice %arg9[%dma_wait3A_50, %dma_wait3A_51] : memref<10240x128xf32, #tpu.memory_space<vmem_shared>> -> memref<10240x128xf32, #tpu.memory_space<vmem_shared>>
        tpu.wait_indirect_dma semaphore(%run_scoped3A : memref<!tpu.dma_semaphore, #tpu.memory_space<semaphore_mem>>) src(%arg8 : memref<64x128xf32, #tpu.memory_space<vmem>>) dst(%dma_wait3A_52 : memref<10240x128xf32, #tpu.memory_space<vmem_shared>>)
        tpu.yield
      }) : () -> ()
    }
    %scan3A_22 = arith.constant 160 : i32
    %barrier3A_23 = arith.constant 0 : index
    tpu.barrier barrier_id(%barrier3A_23)
    %scan3A_24 = arith.constant 0 : i32
    %scan3A_25 = arith.constant 0 : i32
    %scan3A_26 = arith.constant 5 : i32
    %scan3A_27 = arith.addi %scan3A_25, %scan3A_26 : i32
    %scan3A_28 = arith.constant 1 : i32
    scf.for %scan3A_30 = %scan3A_25 to %scan3A_27 step %scan3A_28  : i32 {
      %mul3A_31 = arith.constant 640 : i32
      %mul3A_32 = arith.muli %arg1, %mul3A_31 : i32
      %mul3A_33 = arith.constant 128 : i32
      %mul3A_34 = arith.muli %scan3A_30, %mul3A_33 : i32
      %add3A_35 = arith.addi %mul3A_32, %mul3A_34 : i32
      "tpu.region"() ({
        %run_scoped3A = tpu.sem_alloc : memref<!tpu.dma_semaphore, #tpu.memory_space<semaphore_mem>>
        %dma_start3A = arith.constant 0 : i32
        %dma_start3A_36 = tpu.memref_slice %arg5[%arg0, %add3A_35, %dma_start3A] : memref<2x10240x128xf32, #tpu.memory_space<hbm>> -> memref<1x128x128xf32, #tpu.memory_space<hbm>>
        %dma_start3A_37 = tpu.memref_squeeze %dma_start3A_36 : memref<1x128x128xf32, #tpu.memory_space<hbm>> -> memref<128x128xf32, #tpu.memory_space<hbm>>
        %dma_start3A_38 = arith.constant 0 : i32
        %dma_start3A_39 = tpu.memref_slice %arg9[%add3A_35, %dma_start3A_38] : memref<10240x128xf32, #tpu.memory_space<vmem_shared>> -> memref<128x128xf32, #tpu.memory_space<vmem_shared>>
        tpu.enqueue_dma source(%dma_start3A_39 : memref<128x128xf32, #tpu.memory_space<vmem_shared>>) target(%dma_start3A_37 : memref<128x128xf32, #tpu.memory_space<hbm>>) target_semaphore(%run_scoped3A : memref<!tpu.dma_semaphore, #tpu.memory_space<semaphore_mem>>)
        %dma_wait3A = arith.constant 0 : i32
        %dma_wait3A_40 = tpu.memref_slice %arg5[%arg0, %add3A_35, %dma_wait3A] : memref<2x10240x128xf32, #tpu.memory_space<hbm>> -> memref<1x128x128xf32, #tpu.memory_space<hbm>>
        %dma_wait3A_41 = tpu.memref_squeeze %dma_wait3A_40 : memref<1x128x128xf32, #tpu.memory_space<hbm>> -> memref<128x128xf32, #tpu.memory_space<hbm>>
        %dma_wait3A_42 = arith.constant 0 : i32
        %dma_wait3A_43 = tpu.memref_slice %arg9[%add3A_35, %dma_wait3A_42] : memref<10240x128xf32, #tpu.memory_space<vmem_shared>> -> memref<128x128xf32, #tpu.memory_space<vmem_shared>>
        tpu.wait_dma2 semaphore(%run_scoped3A : memref<!tpu.dma_semaphore, #tpu.memory_space<semaphore_mem>>) src(%dma_wait3A_43 : memref<128x128xf32, #tpu.memory_space<vmem_shared>>) dst(%dma_wait3A_41 : memref<128x128xf32, #tpu.memory_space<hbm>>)
        tpu.yield
      }) : () -> ()
    }
    %scan3A_29 = arith.constant 5 : i32
    return
  }
}

#map = affine_map<(d0, d1) -> (0, 0)>
#map1 = affine_map<(d0, d1) -> (0, 0, 0)>
module attributes {stable_mosaic.version = 14 : i64} {
  func.func @_sc_count_body(%arg0: i32, %arg1: i32, %arg2: memref<5120x64xi32, #tpu.memory_space<hbm>>, %arg3: memref<2x10240x128xf32, #tpu.memory_space<hbm>>, %arg4: memref<160x64xi32, #tpu.memory_space<vmem>>, %arg5: memref<64x128xf32, #tpu.memory_space<vmem>>, %arg6: memref<64x128xf32, #tpu.memory_space<vmem>>, %arg7: memref<10240x128xf32, #tpu.memory_space<vmem_shared>>) attributes {dimension_semantics = [#tpu.dimension_semantics<core_parallel>, #tpu.dimension_semantics<subcore_parallel>], iteration_bounds = array<i64: 2, 16>, scalar_prefetch = 0 : i64, scratch_operands = 4 : i64, tpu.core_type = #tpu.core_type<sc_vector_subcore>, window_params = [{transform_indices = #map}, {transform_indices = #map1}]} {
    %mul3A = arith.constant 2 : i32
    %mul3A_0 = arith.muli %arg1, %mul3A : i32
    %add3A = arith.addi %mul3A_0, %arg0 : i32
    %mul3A_1 = arith.constant 160 : i32
    %mul3A_2 = arith.muli %add3A, %mul3A_1 : i32
    "tpu.region"() ({
      %run_scoped3A = tpu.sem_alloc : memref<!tpu.dma_semaphore, #tpu.memory_space<semaphore_mem>>
      %dma_start3A = arith.constant 0 : i32
      %dma_start3A_30 = tpu.memref_slice %arg2[%mul3A_2, %dma_start3A] : memref<5120x64xi32, #tpu.memory_space<hbm>> -> memref<160x64xi32, #tpu.memory_space<hbm>>
      %dma_start3A_31 = arith.constant 0 : i32
      %dma_start3A_32 = tpu.memref_slice %arg2[%mul3A_2, %dma_start3A_31] : memref<5120x64xi32, #tpu.memory_space<hbm>> -> memref<160x64xi32, #tpu.memory_space<hbm>>
      tpu.enqueue_dma source(%dma_start3A_32 : memref<160x64xi32, #tpu.memory_space<hbm>>) target(%arg4 : memref<160x64xi32, #tpu.memory_space<vmem>>) target_semaphore(%run_scoped3A : memref<!tpu.dma_semaphore, #tpu.memory_space<semaphore_mem>>)
      %dma_wait3A = arith.constant 0 : i32
      %dma_wait3A_33 = tpu.memref_slice %arg2[%mul3A_2, %dma_wait3A] : memref<5120x64xi32, #tpu.memory_space<hbm>> -> memref<160x64xi32, #tpu.memory_space<hbm>>
      %dma_wait3A_34 = arith.constant 0 : i32
      %dma_wait3A_35 = tpu.memref_slice %arg2[%mul3A_2, %dma_wait3A_34] : memref<5120x64xi32, #tpu.memory_space<hbm>> -> memref<160x64xi32, #tpu.memory_space<hbm>>
      tpu.wait_dma2 semaphore(%run_scoped3A : memref<!tpu.dma_semaphore, #tpu.memory_space<semaphore_mem>>) src(%dma_wait3A_35 : memref<160x64xi32, #tpu.memory_space<hbm>>) dst(%arg4 : memref<160x64xi32, #tpu.memory_space<vmem>>)
      tpu.yield
    }) : () -> ()
    %broadcast_in_dim3A = arith.constant 0.000000e+00 : f32
    %broadcast_in_dim3A_3 = vector.broadcast %broadcast_in_dim3A : f32 to vector<16xf32>
    %broadcast_in_dim3A_4 = arith.constant 1.000000e+00 : f32
    %broadcast_in_dim3A_5 = vector.broadcast %broadcast_in_dim3A_4 : f32 to vector<16xf32>
    %scan3A = arith.constant 0 : i32
    %scan3A_6 = arith.constant 0 : i32
    %scan3A_7 = arith.constant 512 : i32
    %scan3A_8 = arith.addi %scan3A_6, %scan3A_7 : i32
    %scan3A_9 = arith.constant 1 : i32
    scf.for %scan3A_30 = %scan3A_6 to %scan3A_8 step %scan3A_9  : i32 {
      %jit3A = arith.constant 8 : i32
      %div3A = arith.divsi %scan3A_30, %jit3A : i32
      %sign3A = arith.constant 0 : i32
      %sign3A_31 = arith.cmpi sgt, %scan3A_30, %sign3A : i32
      %sign3A_32 = arith.extui %sign3A_31 : i1 to i32
      %sign3A_33 = arith.constant 0 : i32
      %sign3A_34 = arith.cmpi slt, %scan3A_30, %sign3A_33 : i32
      %sign3A_35 = arith.extui %sign3A_34 : i1 to i32
      %sign3A_36 = arith.subi %sign3A_32, %sign3A_35 : i32
      %sign3A_37 = arith.constant 0 : i32
      %sign3A_38 = arith.cmpi sgt, %jit3A, %sign3A_37 : i32
      %sign3A_39 = arith.extui %sign3A_38 : i1 to i32
      %sign3A_40 = arith.constant 0 : i32
      %sign3A_41 = arith.cmpi slt, %jit3A, %sign3A_40 : i32
      %sign3A_42 = arith.extui %sign3A_41 : i1 to i32
      %sign3A_43 = arith.subi %sign3A_39, %sign3A_42 : i32
      %ne3A = arith.cmpi ne, %sign3A_36, %sign3A_43 : i32
      %rem3A = arith.remsi %scan3A_30, %jit3A : i32
      %ne3A_44 = arith.constant 0 : i32
      %ne3A_45 = arith.cmpi ne, %rem3A, %ne3A_44 : i32
      %and3A = arith.andi %ne3A, %ne3A_45 : i1
      %sub3A = arith.constant 1 : i32
      %sub3A_46 = arith.subi %div3A, %sub3A : i32
      %select_n3A = arith.select %and3A, %sub3A_46, %div3A : i32
      %jit3A_47 = arith.constant 8 : i32
      %eq3A = arith.constant 0 : i32
      %eq3A_48 = arith.cmpi eq, %jit3A_47, %eq3A : i32
      %jit3A_49 = arith.constant 1 : i32
      %select_n3A_50 = arith.select %eq3A_48, %jit3A_49, %jit3A_47 : i32
      %rem3A_51 = arith.remsi %scan3A_30, %select_n3A_50 : i32
      %ne3A_52 = arith.constant 0 : i32
      %ne3A_53 = arith.cmpi ne, %rem3A_51, %ne3A_52 : i32
      %lt3A = arith.constant 0 : i32
      %lt3A_54 = arith.cmpi slt, %rem3A_51, %lt3A : i32
      %lt3A_55 = arith.constant 0 : i32
      %lt3A_56 = arith.cmpi slt, %select_n3A_50, %lt3A_55 : i32
      %ne3A_57 = arith.xori %lt3A_54, %lt3A_56 : i1
      %and3A_58 = arith.andi %ne3A_57, %ne3A_53 : i1
      %add3A_59 = arith.addi %rem3A_51, %select_n3A_50 : i32
      %select_n3A_60 = arith.select %and3A_58, %add3A_59, %rem3A_51 : i32
      %mul3A_61 = arith.constant 16 : i32
      %mul3A_62 = arith.muli %select_n3A_60, %mul3A_61 : i32
      %swap3A = arith.index_cast %select_n3A : i32 to index
      %swap3A_63 = arith.index_cast %mul3A_62 : i32 to index
      %swap3A_64 = tpu.vector_load %arg5[%swap3A, %swap3A_63] {strides = array<i32>} : memref<64x128xf32, #tpu.memory_space<vmem>>, vector<1x16xf32>,
      %swap3A_65 = vector.shape_cast %swap3A_64 : vector<1x16xf32> to vector<16xf32>
      %swap3A_66 = vector.shape_cast %broadcast_in_dim3A_5 : vector<16xf32> to vector<1x16xf32>
      tpu.vector_store %arg5[%swap3A, %swap3A_63], %swap3A_66 {strides = array<i32>} : memref<64x128xf32, #tpu.memory_space<vmem>>, vector<1x16xf32>,
      %jit3A_67 = arith.constant 8 : i32
      %div3A_68 = arith.divsi %scan3A_30, %jit3A_67 : i32
      %sign3A_69 = arith.constant 0 : i32
      %sign3A_70 = arith.cmpi sgt, %scan3A_30, %sign3A_69 : i32
      %sign3A_71 = arith.extui %sign3A_70 : i1 to i32
      %sign3A_72 = arith.constant 0 : i32
      %sign3A_73 = arith.cmpi slt, %scan3A_30, %sign3A_72 : i32
      %sign3A_74 = arith.extui %sign3A_73 : i1 to i32
      %sign3A_75 = arith.subi %sign3A_71, %sign3A_74 : i32
      %sign3A_76 = arith.constant 0 : i32
      %sign3A_77 = arith.cmpi sgt, %jit3A_67, %sign3A_76 : i32
      %sign3A_78 = arith.extui %sign3A_77 : i1 to i32
      %sign3A_79 = arith.constant 0 : i32
      %sign3A_80 = arith.cmpi slt, %jit3A_67, %sign3A_79 : i32
      %sign3A_81 = arith.extui %sign3A_80 : i1 to i32
      %sign3A_82 = arith.subi %sign3A_78, %sign3A_81 : i32
      %ne3A_83 = arith.cmpi ne, %sign3A_75, %sign3A_82 : i32
      %rem3A_84 = arith.remsi %scan3A_30, %jit3A_67 : i32
      %ne3A_85 = arith.constant 0 : i32
      %ne3A_86 = arith.cmpi ne, %rem3A_84, %ne3A_85 : i32
      %and3A_87 = arith.andi %ne3A_83, %ne3A_86 : i1
      %sub3A_88 = arith.constant 1 : i32
      %sub3A_89 = arith.subi %div3A_68, %sub3A_88 : i32
      %select_n3A_90 = arith.select %and3A_87, %sub3A_89, %div3A_68 : i32
      %jit3A_91 = arith.constant 8 : i32
      %eq3A_92 = arith.constant 0 : i32
      %eq3A_93 = arith.cmpi eq, %jit3A_91, %eq3A_92 : i32
      %jit3A_94 = arith.constant 1 : i32
      %select_n3A_95 = arith.select %eq3A_93, %jit3A_94, %jit3A_91 : i32
      %rem3A_96 = arith.remsi %scan3A_30, %select_n3A_95 : i32
      %ne3A_97 = arith.constant 0 : i32
      %ne3A_98 = arith.cmpi ne, %rem3A_96, %ne3A_97 : i32
      %lt3A_99 = arith.constant 0 : i32
      %lt3A_100 = arith.cmpi slt, %rem3A_96, %lt3A_99 : i32
      %lt3A_101 = arith.constant 0 : i32
      %lt3A_102 = arith.cmpi slt, %select_n3A_95, %lt3A_101 : i32
      %ne3A_103 = arith.xori %lt3A_100, %lt3A_102 : i1
      %and3A_104 = arith.andi %ne3A_103, %ne3A_98 : i1
      %add3A_105 = arith.addi %rem3A_96, %select_n3A_95 : i32
      %select_n3A_106 = arith.select %and3A_104, %add3A_105, %rem3A_96 : i32
      %mul3A_107 = arith.constant 16 : i32
      %mul3A_108 = arith.muli %select_n3A_106, %mul3A_107 : i32
      %swap3A_109 = arith.index_cast %select_n3A_90 : i32 to index
      %swap3A_110 = arith.index_cast %mul3A_108 : i32 to index
      %swap3A_111 = tpu.vector_load %arg6[%swap3A_109, %swap3A_110] {strides = array<i32>} : memref<64x128xf32, #tpu.memory_space<vmem>>, vector<1x16xf32>,
      %swap3A_112 = vector.shape_cast %swap3A_111 : vector<1x16xf32> to vector<16xf32>
      %swap3A_113 = vector.shape_cast %broadcast_in_dim3A_3 : vector<16xf32> to vector<1x16xf32>
      tpu.vector_store %arg6[%swap3A_109, %swap3A_110], %swap3A_113 {strides = array<i32>} : memref<64x128xf32, #tpu.memory_space<vmem>>, vector<1x16xf32>,
    }
    %scan3A_10 = arith.constant 512 : i32
    %scan3A_11 = arith.constant 0 : i32
    %scan3A_12 = arith.constant 0 : i32
    %scan3A_13 = arith.constant 10 : i32
    %scan3A_14 = arith.addi %scan3A_12, %scan3A_13 : i32
    %scan3A_15 = arith.constant 1 : i32
    scf.for %scan3A_30 = %scan3A_12 to %scan3A_14 step %scan3A_15  : i32 {
      %mul3A_31 = arith.constant 640 : i32
      %mul3A_32 = arith.muli %arg1, %mul3A_31 : i32
      %mul3A_33 = arith.constant 64 : i32
      %mul3A_34 = arith.muli %scan3A_30, %mul3A_33 : i32
      %add3A_35 = arith.addi %mul3A_32, %mul3A_34 : i32
      "tpu.region"() ({
        %run_scoped3A = tpu.sem_alloc : memref<!tpu.dma_semaphore, #tpu.memory_space<semaphore_mem>>
        %dma_start3A = arith.constant 0 : i32
        %dma_start3A_36 = tpu.memref_slice %arg7[%add3A_35, %dma_start3A] : memref<10240x128xf32, #tpu.memory_space<vmem_shared>> -> memref<64x128xf32, #tpu.memory_space<vmem_shared>>
        %dma_start3A_37 = arith.constant 0 : i32
        %dma_start3A_38 = tpu.memref_slice %arg7[%add3A_35, %dma_start3A_37] : memref<10240x128xf32, #tpu.memory_space<vmem_shared>> -> memref<64x128xf32, #tpu.memory_space<vmem_shared>>
        tpu.enqueue_dma source(%arg6 : memref<64x128xf32, #tpu.memory_space<vmem>>) target(%dma_start3A_38 : memref<64x128xf32, #tpu.memory_space<vmem_shared>>) target_semaphore(%run_scoped3A : memref<!tpu.dma_semaphore, #tpu.memory_space<semaphore_mem>>)
        %dma_wait3A = arith.constant 0 : i32
        %dma_wait3A_39 = tpu.memref_slice %arg7[%add3A_35, %dma_wait3A] : memref<10240x128xf32, #tpu.memory_space<vmem_shared>> -> memref<64x128xf32, #tpu.memory_space<vmem_shared>>
        %dma_wait3A_40 = arith.constant 0 : i32
        %dma_wait3A_41 = tpu.memref_slice %arg7[%add3A_35, %dma_wait3A_40] : memref<10240x128xf32, #tpu.memory_space<vmem_shared>> -> memref<64x128xf32, #tpu.memory_space<vmem_shared>>
        tpu.wait_dma2 semaphore(%run_scoped3A : memref<!tpu.dma_semaphore, #tpu.memory_space<semaphore_mem>>) src(%arg6 : memref<64x128xf32, #tpu.memory_space<vmem>>) dst(%dma_wait3A_41 : memref<64x128xf32, #tpu.memory_space<vmem_shared>>)
        tpu.yield
      }) : () -> ()
    }
    %scan3A_16 = arith.constant 10 : i32
    %barrier3A = arith.constant 0 : index
    tpu.barrier barrier_id(%barrier3A)
    %scan3A_17 = arith.constant 0 : i32
    %scan3A_18 = arith.constant 0 : i32
    %scan3A_19 = arith.constant 160 : i32
    %scan3A_20 = arith.addi %scan3A_18, %scan3A_19 : i32
    %scan3A_21 = arith.constant 1 : i32
    scf.for %scan3A_30 = %scan3A_18 to %scan3A_20 step %scan3A_21  : i32 {
      "tpu.region"() ({
        %run_scoped3A = tpu.sem_alloc : memref<!tpu.dma_semaphore, #tpu.memory_space<semaphore_mem>>
        %dma_start3A = arith.constant 0 : i32
        %dma_start3A_31 = tpu.memref_slice %arg4[%scan3A_30, %dma_start3A] : memref<160x64xi32, #tpu.memory_space<vmem>> -> memref<1x64xi32, #tpu.memory_space<vmem>>
        %dma_start3A_32 = tpu.memref_squeeze %dma_start3A_31 : memref<1x64xi32, #tpu.memory_space<vmem>> -> memref<64xi32, #tpu.memory_space<vmem>>
        %dma_start3A_33 = arith.constant 0 : i32
        %dma_start3A_34 = arith.constant 0 : i32
        %dma_start3A_35 = tpu.memref_slice %arg7[%dma_start3A_33, %dma_start3A_34] : memref<10240x128xf32, #tpu.memory_space<vmem_shared>> -> memref<10240x128xf32, #tpu.memory_space<vmem_shared>>
        tpu.enqueue_indirect_dma source(%arg5 : memref<64x128xf32, #tpu.memory_space<vmem>>) target(%dma_start3A_35 : memref<10240x128xf32, #tpu.memory_space<vmem_shared>>) offsets(%dma_start3A_32 : memref<64xi32, #tpu.memory_space<vmem>>) semaphore(%run_scoped3A : memref<!tpu.dma_semaphore, #tpu.memory_space<semaphore_mem>>) {add = true}
        %dma_wait3A = arith.constant 0 : i32
        %dma_wait3A_36 = tpu.memref_slice %arg4[%scan3A_30, %dma_wait3A] : memref<160x64xi32, #tpu.memory_space<vmem>> -> memref<1x64xi32, #tpu.memory_space<vmem>>
        %dma_wait3A_37 = tpu.memref_squeeze %dma_wait3A_36 : memref<1x64xi32, #tpu.memory_space<vmem>> -> memref<64xi32, #tpu.memory_space<vmem>>
        %dma_wait3A_38 = arith.constant 0 : i32
        %dma_wait3A_39 = arith.constant 0 : i32
        %dma_wait3A_40 = tpu.memref_slice %arg7[%dma_wait3A_38, %dma_wait3A_39] : memref<10240x128xf32, #tpu.memory_space<vmem_shared>> -> memref<10240x128xf32, #tpu.memory_space<vmem_shared>>
        tpu.wait_indirect_dma semaphore(%run_scoped3A : memref<!tpu.dma_semaphore, #tpu.memory_space<semaphore_mem>>) src(%arg5 : memref<64x128xf32, #tpu.memory_space<vmem>>) dst(%dma_wait3A_40 : memref<10240x128xf32, #tpu.memory_space<vmem_shared>>)
        tpu.yield
      }) : () -> ()
    }
    %scan3A_22 = arith.constant 160 : i32
    %barrier3A_23 = arith.constant 0 : index
    tpu.barrier barrier_id(%barrier3A_23)
    %scan3A_24 = arith.constant 0 : i32
    %scan3A_25 = arith.constant 0 : i32
    %scan3A_26 = arith.constant 5 : i32
    %scan3A_27 = arith.addi %scan3A_25, %scan3A_26 : i32
    %scan3A_28 = arith.constant 1 : i32
    scf.for %scan3A_30 = %scan3A_25 to %scan3A_27 step %scan3A_28  : i32 {
      %mul3A_31 = arith.constant 640 : i32
      %mul3A_32 = arith.muli %arg1, %mul3A_31 : i32
      %mul3A_33 = arith.constant 128 : i32
      %mul3A_34 = arith.muli %scan3A_30, %mul3A_33 : i32
      %add3A_35 = arith.addi %mul3A_32, %mul3A_34 : i32
      "tpu.region"() ({
        %run_scoped3A = tpu.sem_alloc : memref<!tpu.dma_semaphore, #tpu.memory_space<semaphore_mem>>
        %dma_start3A = arith.constant 0 : i32
        %dma_start3A_36 = tpu.memref_slice %arg3[%arg0, %add3A_35, %dma_start3A] : memref<2x10240x128xf32, #tpu.memory_space<hbm>> -> memref<1x128x128xf32, #tpu.memory_space<hbm>>
        %dma_start3A_37 = tpu.memref_squeeze %dma_start3A_36 : memref<1x128x128xf32, #tpu.memory_space<hbm>> -> memref<128x128xf32, #tpu.memory_space<hbm>>
        %dma_start3A_38 = arith.constant 0 : i32
        %dma_start3A_39 = tpu.memref_slice %arg7[%add3A_35, %dma_start3A_38] : memref<10240x128xf32, #tpu.memory_space<vmem_shared>> -> memref<128x128xf32, #tpu.memory_space<vmem_shared>>
        tpu.enqueue_dma source(%dma_start3A_39 : memref<128x128xf32, #tpu.memory_space<vmem_shared>>) target(%dma_start3A_37 : memref<128x128xf32, #tpu.memory_space<hbm>>) target_semaphore(%run_scoped3A : memref<!tpu.dma_semaphore, #tpu.memory_space<semaphore_mem>>)
        %dma_wait3A = arith.constant 0 : i32
        %dma_wait3A_40 = tpu.memref_slice %arg3[%arg0, %add3A_35, %dma_wait3A] : memref<2x10240x128xf32, #tpu.memory_space<hbm>> -> memref<1x128x128xf32, #tpu.memory_space<hbm>>
        %dma_wait3A_41 = tpu.memref_squeeze %dma_wait3A_40 : memref<1x128x128xf32, #tpu.memory_space<hbm>> -> memref<128x128xf32, #tpu.memory_space<hbm>>
        %dma_wait3A_42 = arith.constant 0 : i32
        %dma_wait3A_43 = tpu.memref_slice %arg7[%add3A_35, %dma_wait3A_42] : memref<10240x128xf32, #tpu.memory_space<vmem_shared>> -> memref<128x128xf32, #tpu.memory_space<vmem_shared>>
        tpu.wait_dma2 semaphore(%run_scoped3A : memref<!tpu.dma_semaphore, #tpu.memory_space<semaphore_mem>>) src(%dma_wait3A_43 : memref<128x128xf32, #tpu.memory_space<vmem_shared>>) dst(%dma_wait3A_41 : memref<128x128xf32, #tpu.memory_space<hbm>>)
        tpu.yield
      }) : () -> ()
    }
    %scan3A_29 = arith.constant 5 : i32
    return
  }
}

#map = affine_map<(d0, d1) -> (0, 0)>
#map1 = affine_map<(d0, d1) -> (0, 0, 0)>
module attributes {stable_mosaic.version = 14 : i64} {
  func.func @_sc_scatter_body(%arg0: i32, %arg1: i32, %arg2: memref<10000x128xf32, #tpu.memory_space<hbm>>, %arg3: memref<5120x64xi32, #tpu.memory_space<hbm>>, %arg4: memref<5120x64xi32, #tpu.memory_space<hbm>>, %arg5: memref<2x10240x128xf32, #tpu.memory_space<hbm>>, %arg6: memref<160x64xi32, #tpu.memory_space<vmem>>, %arg7: memref<160x64xi32, #tpu.memory_space<vmem>>, %arg8: memref<64x128xf32, #tpu.memory_space<vmem>>, %arg9: memref<10240x128xf32, #tpu.memory_space<vmem_shared>>, %arg10: memref<!tpu.dma_semaphore, #tpu.memory_space<semaphore_mem>>) attributes {dimension_semantics = [#tpu.dimension_semantics<core_parallel>, #tpu.dimension_semantics<subcore_parallel>], iteration_bounds = array<i64: 2, 16>, scalar_prefetch = 0 : i64, scratch_operands = 5 : i64, tpu.core_type = #tpu.core_type<sc_vector_subcore>, window_params = [{transform_indices = #map}, {transform_indices = #map}, {transform_indices = #map}, {transform_indices = #map1}]} {
    %mul3A = arith.constant 2 : i32
    %mul3A_0 = arith.muli %arg1, %mul3A : i32
    %add3A = arith.addi %mul3A_0, %arg0 : i32
    %mul3A_1 = arith.constant 160 : i32
    %mul3A_2 = arith.muli %add3A, %mul3A_1 : i32
    "tpu.region"() ({
      %run_scoped3A = tpu.sem_alloc : memref<!tpu.dma_semaphore, #tpu.memory_space<semaphore_mem>>
      %dma_start3A = arith.constant 0 : i32
      %dma_start3A_30 = tpu.memref_slice %arg3[%mul3A_2, %dma_start3A] : memref<5120x64xi32, #tpu.memory_space<hbm>> -> memref<160x64xi32, #tpu.memory_space<hbm>>
      %dma_start3A_31 = arith.constant 0 : i32
      %dma_start3A_32 = tpu.memref_slice %arg3[%mul3A_2, %dma_start3A_31] : memref<5120x64xi32, #tpu.memory_space<hbm>> -> memref<160x64xi32, #tpu.memory_space<hbm>>
      tpu.enqueue_dma source(%dma_start3A_32 : memref<160x64xi32, #tpu.memory_space<hbm>>) target(%arg6 : memref<160x64xi32, #tpu.memory_space<vmem>>) target_semaphore(%run_scoped3A : memref<!tpu.dma_semaphore, #tpu.memory_space<semaphore_mem>>)
      %dma_wait3A = arith.constant 0 : i32
      %dma_wait3A_33 = tpu.memref_slice %arg3[%mul3A_2, %dma_wait3A] : memref<5120x64xi32, #tpu.memory_space<hbm>> -> memref<160x64xi32, #tpu.memory_space<hbm>>
      %dma_wait3A_34 = arith.constant 0 : i32
      %dma_wait3A_35 = tpu.memref_slice %arg3[%mul3A_2, %dma_wait3A_34] : memref<5120x64xi32, #tpu.memory_space<hbm>> -> memref<160x64xi32, #tpu.memory_space<hbm>>
      tpu.wait_dma2 semaphore(%run_scoped3A : memref<!tpu.dma_semaphore, #tpu.memory_space<semaphore_mem>>) src(%dma_wait3A_35 : memref<160x64xi32, #tpu.memory_space<hbm>>) dst(%arg6 : memref<160x64xi32, #tpu.memory_space<vmem>>)
      tpu.yield
    }) : () -> ()
    %mul3A_3 = arith.constant 160 : i32
    %mul3A_4 = arith.muli %add3A, %mul3A_3 : i32
    "tpu.region"() ({
      %run_scoped3A = tpu.sem_alloc : memref<!tpu.dma_semaphore, #tpu.memory_space<semaphore_mem>>
      %dma_start3A = arith.constant 0 : i32
      %dma_start3A_30 = tpu.memref_slice %arg4[%mul3A_4, %dma_start3A] : memref<5120x64xi32, #tpu.memory_space<hbm>> -> memref<160x64xi32, #tpu.memory_space<hbm>>
      %dma_start3A_31 = arith.constant 0 : i32
      %dma_start3A_32 = tpu.memref_slice %arg4[%mul3A_4, %dma_start3A_31] : memref<5120x64xi32, #tpu.memory_space<hbm>> -> memref<160x64xi32, #tpu.memory_space<hbm>>
      tpu.enqueue_dma source(%dma_start3A_32 : memref<160x64xi32, #tpu.memory_space<hbm>>) target(%arg7 : memref<160x64xi32, #tpu.memory_space<vmem>>) target_semaphore(%run_scoped3A : memref<!tpu.dma_semaphore, #tpu.memory_space<semaphore_mem>>)
      %dma_wait3A = arith.constant 0 : i32
      %dma_wait3A_33 = tpu.memref_slice %arg4[%mul3A_4, %dma_wait3A] : memref<5120x64xi32, #tpu.memory_space<hbm>> -> memref<160x64xi32, #tpu.memory_space<hbm>>
      %dma_wait3A_34 = arith.constant 0 : i32
      %dma_wait3A_35 = tpu.memref_slice %arg4[%mul3A_4, %dma_wait3A_34] : memref<5120x64xi32, #tpu.memory_space<hbm>> -> memref<160x64xi32, #tpu.memory_space<hbm>>
      tpu.wait_dma2 semaphore(%run_scoped3A : memref<!tpu.dma_semaphore, #tpu.memory_space<semaphore_mem>>) src(%dma_wait3A_35 : memref<160x64xi32, #tpu.memory_space<hbm>>) dst(%arg7 : memref<160x64xi32, #tpu.memory_space<vmem>>)
      tpu.yield
    }) : () -> ()
    %broadcast_in_dim3A = arith.constant 0.000000e+00 : f32
    %broadcast_in_dim3A_5 = vector.broadcast %broadcast_in_dim3A : f32 to vector<16xf32>
    %scan3A = arith.constant 0 : i32
    %scan3A_6 = arith.constant 0 : i32
    %scan3A_7 = arith.constant 512 : i32
    %scan3A_8 = arith.addi %scan3A_6, %scan3A_7 : i32
    %scan3A_9 = arith.constant 1 : i32
    scf.for %scan3A_30 = %scan3A_6 to %scan3A_8 step %scan3A_9  : i32 {
      %jit3A = arith.constant 8 : i32
      %div3A = arith.divsi %scan3A_30, %jit3A : i32
      %sign3A = arith.constant 0 : i32
      %sign3A_31 = arith.cmpi sgt, %scan3A_30, %sign3A : i32
      %sign3A_32 = arith.extui %sign3A_31 : i1 to i32
      %sign3A_33 = arith.constant 0 : i32
      %sign3A_34 = arith.cmpi slt, %scan3A_30, %sign3A_33 : i32
      %sign3A_35 = arith.extui %sign3A_34 : i1 to i32
      %sign3A_36 = arith.subi %sign3A_32, %sign3A_35 : i32
      %sign3A_37 = arith.constant 0 : i32
      %sign3A_38 = arith.cmpi sgt, %jit3A, %sign3A_37 : i32
      %sign3A_39 = arith.extui %sign3A_38 : i1 to i32
      %sign3A_40 = arith.constant 0 : i32
      %sign3A_41 = arith.cmpi slt, %jit3A, %sign3A_40 : i32
      %sign3A_42 = arith.extui %sign3A_41 : i1 to i32
      %sign3A_43 = arith.subi %sign3A_39, %sign3A_42 : i32
      %ne3A = arith.cmpi ne, %sign3A_36, %sign3A_43 : i32
      %rem3A = arith.remsi %scan3A_30, %jit3A : i32
      %ne3A_44 = arith.constant 0 : i32
      %ne3A_45 = arith.cmpi ne, %rem3A, %ne3A_44 : i32
      %and3A = arith.andi %ne3A, %ne3A_45 : i1
      %sub3A = arith.constant 1 : i32
      %sub3A_46 = arith.subi %div3A, %sub3A : i32
      %select_n3A = arith.select %and3A, %sub3A_46, %div3A : i32
      %jit3A_47 = arith.constant 8 : i32
      %eq3A = arith.constant 0 : i32
      %eq3A_48 = arith.cmpi eq, %jit3A_47, %eq3A : i32
      %jit3A_49 = arith.constant 1 : i32
      %select_n3A_50 = arith.select %eq3A_48, %jit3A_49, %jit3A_47 : i32
      %rem3A_51 = arith.remsi %scan3A_30, %select_n3A_50 : i32
      %ne3A_52 = arith.constant 0 : i32
      %ne3A_53 = arith.cmpi ne, %rem3A_51, %ne3A_52 : i32
      %lt3A = arith.constant 0 : i32
      %lt3A_54 = arith.cmpi slt, %rem3A_51, %lt3A : i32
      %lt3A_55 = arith.constant 0 : i32
      %lt3A_56 = arith.cmpi slt, %select_n3A_50, %lt3A_55 : i32
      %ne3A_57 = arith.xori %lt3A_54, %lt3A_56 : i1
      %and3A_58 = arith.andi %ne3A_57, %ne3A_53 : i1
      %add3A_59 = arith.addi %rem3A_51, %select_n3A_50 : i32
      %select_n3A_60 = arith.select %and3A_58, %add3A_59, %rem3A_51 : i32
      %mul3A_61 = arith.constant 16 : i32
      %mul3A_62 = arith.muli %select_n3A_60, %mul3A_61 : i32
      %swap3A = arith.index_cast %select_n3A : i32 to index
      %swap3A_63 = arith.index_cast %mul3A_62 : i32 to index
      %swap3A_64 = tpu.vector_load %arg8[%swap3A, %swap3A_63] {strides = array<i32>} : memref<64x128xf32, #tpu.memory_space<vmem>>, vector<1x16xf32>,
      %swap3A_65 = vector.shape_cast %swap3A_64 : vector<1x16xf32> to vector<16xf32>
      %swap3A_66 = vector.shape_cast %broadcast_in_dim3A_5 : vector<16xf32> to vector<1x16xf32>
      tpu.vector_store %arg8[%swap3A, %swap3A_63], %swap3A_66 {strides = array<i32>} : memref<64x128xf32, #tpu.memory_space<vmem>>, vector<1x16xf32>,
    }
    %scan3A_10 = arith.constant 512 : i32
    %scan3A_11 = arith.constant 0 : i32
    %scan3A_12 = arith.constant 0 : i32
    %scan3A_13 = arith.constant 10 : i32
    %scan3A_14 = arith.addi %scan3A_12, %scan3A_13 : i32
    %scan3A_15 = arith.constant 1 : i32
    scf.for %scan3A_30 = %scan3A_12 to %scan3A_14 step %scan3A_15  : i32 {
      %mul3A_31 = arith.constant 640 : i32
      %mul3A_32 = arith.muli %arg1, %mul3A_31 : i32
      %mul3A_33 = arith.constant 64 : i32
      %mul3A_34 = arith.muli %scan3A_30, %mul3A_33 : i32
      %add3A_35 = arith.addi %mul3A_32, %mul3A_34 : i32
      "tpu.region"() ({
        %run_scoped3A = tpu.sem_alloc : memref<!tpu.dma_semaphore, #tpu.memory_space<semaphore_mem>>
        %dma_start3A = arith.constant 0 : i32
        %dma_start3A_36 = tpu.memref_slice %arg9[%add3A_35, %dma_start3A] : memref<10240x128xf32, #tpu.memory_space<vmem_shared>> -> memref<64x128xf32, #tpu.memory_space<vmem_shared>>
        %dma_start3A_37 = arith.constant 0 : i32
        %dma_start3A_38 = tpu.memref_slice %arg9[%add3A_35, %dma_start3A_37] : memref<10240x128xf32, #tpu.memory_space<vmem_shared>> -> memref<64x128xf32, #tpu.memory_space<vmem_shared>>
        tpu.enqueue_dma source(%arg8 : memref<64x128xf32, #tpu.memory_space<vmem>>) target(%dma_start3A_38 : memref<64x128xf32, #tpu.memory_space<vmem_shared>>) target_semaphore(%run_scoped3A : memref<!tpu.dma_semaphore, #tpu.memory_space<semaphore_mem>>)
        %dma_wait3A = arith.constant 0 : i32
        %dma_wait3A_39 = tpu.memref_slice %arg9[%add3A_35, %dma_wait3A] : memref<10240x128xf32, #tpu.memory_space<vmem_shared>> -> memref<64x128xf32, #tpu.memory_space<vmem_shared>>
        %dma_wait3A_40 = arith.constant 0 : i32
        %dma_wait3A_41 = tpu.memref_slice %arg9[%add3A_35, %dma_wait3A_40] : memref<10240x128xf32, #tpu.memory_space<vmem_shared>> -> memref<64x128xf32, #tpu.memory_space<vmem_shared>>
        tpu.wait_dma2 semaphore(%run_scoped3A : memref<!tpu.dma_semaphore, #tpu.memory_space<semaphore_mem>>) src(%arg8 : memref<64x128xf32, #tpu.memory_space<vmem>>) dst(%dma_wait3A_41 : memref<64x128xf32, #tpu.memory_space<vmem_shared>>)
        tpu.yield
      }) : () -> ()
    }
    %scan3A_16 = arith.constant 10 : i32
    %barrier3A = arith.constant 0 : index
    tpu.barrier barrier_id(%barrier3A)
    %scan3A_17 = arith.constant 0 : i32
    %scan3A_18 = arith.constant 0 : i32
    %scan3A_19 = arith.constant 160 : i32
    %scan3A_20 = arith.addi %scan3A_18, %scan3A_19 : i32
    %scan3A_21 = arith.constant 1 : i32
    scf.for %scan3A_30 = %scan3A_18 to %scan3A_20 step %scan3A_21  : i32 {
      %dma_start3A = arith.constant 0 : i32
      %dma_start3A_31 = tpu.memref_slice %arg6[%scan3A_30, %dma_start3A] : memref<160x64xi32, #tpu.memory_space<vmem>> -> memref<1x64xi32, #tpu.memory_space<vmem>>
      %dma_start3A_32 = tpu.memref_squeeze %dma_start3A_31 : memref<1x64xi32, #tpu.memory_space<vmem>> -> memref<64xi32, #tpu.memory_space<vmem>>
      %dma_start3A_33 = arith.constant 0 : i32
      %dma_start3A_34 = arith.constant 0 : i32
      %dma_start3A_35 = tpu.memref_slice %arg2[%dma_start3A_33, %dma_start3A_34] : memref<10000x128xf32, #tpu.memory_space<hbm>> -> memref<10000x128xf32, #tpu.memory_space<hbm>>
      tpu.enqueue_indirect_dma source(%dma_start3A_35 : memref<10000x128xf32, #tpu.memory_space<hbm>>) target(%arg8 : memref<64x128xf32, #tpu.memory_space<vmem>>) offsets(%dma_start3A_32 : memref<64xi32, #tpu.memory_space<vmem>>) semaphore(%arg10 : memref<!tpu.dma_semaphore, #tpu.memory_space<semaphore_mem>>)
      %dma_wait3A = arith.constant 0 : i32
      %dma_wait3A_36 = tpu.memref_slice %arg6[%scan3A_30, %dma_wait3A] : memref<160x64xi32, #tpu.memory_space<vmem>> -> memref<1x64xi32, #tpu.memory_space<vmem>>
      %dma_wait3A_37 = tpu.memref_squeeze %dma_wait3A_36 : memref<1x64xi32, #tpu.memory_space<vmem>> -> memref<64xi32, #tpu.memory_space<vmem>>
      %dma_wait3A_38 = arith.constant 0 : i32
      %dma_wait3A_39 = arith.constant 0 : i32
      %dma_wait3A_40 = tpu.memref_slice %arg2[%dma_wait3A_38, %dma_wait3A_39] : memref<10000x128xf32, #tpu.memory_space<hbm>> -> memref<10000x128xf32, #tpu.memory_space<hbm>>
      tpu.wait_indirect_dma semaphore(%arg10 : memref<!tpu.dma_semaphore, #tpu.memory_space<semaphore_mem>>) src(%dma_wait3A_40 : memref<10000x128xf32, #tpu.memory_space<hbm>>) dst(%arg8 : memref<64x128xf32, #tpu.memory_space<vmem>>)
      "tpu.region"() ({
        %run_scoped3A = tpu.sem_alloc : memref<!tpu.dma_semaphore, #tpu.memory_space<semaphore_mem>>
        %dma_start3A_41 = arith.constant 0 : i32
        %dma_start3A_42 = tpu.memref_slice %arg7[%scan3A_30, %dma_start3A_41] : memref<160x64xi32, #tpu.memory_space<vmem>> -> memref<1x64xi32, #tpu.memory_space<vmem>>
        %dma_start3A_43 = tpu.memref_squeeze %dma_start3A_42 : memref<1x64xi32, #tpu.memory_space<vmem>> -> memref<64xi32, #tpu.memory_space<vmem>>
        %dma_start3A_44 = arith.constant 0 : i32
        %dma_start3A_45 = arith.constant 0 : i32
        %dma_start3A_46 = tpu.memref_slice %arg9[%dma_start3A_44, %dma_start3A_45] : memref<10240x128xf32, #tpu.memory_space<vmem_shared>> -> memref<10240x128xf32, #tpu.memory_space<vmem_shared>>
        tpu.enqueue_indirect_dma source(%arg8 : memref<64x128xf32, #tpu.memory_space<vmem>>) target(%dma_start3A_46 : memref<10240x128xf32, #tpu.memory_space<vmem_shared>>) offsets(%dma_start3A_43 : memref<64xi32, #tpu.memory_space<vmem>>) semaphore(%run_scoped3A : memref<!tpu.dma_semaphore, #tpu.memory_space<semaphore_mem>>) {add = true}
        %dma_wait3A_47 = arith.constant 0 : i32
        %dma_wait3A_48 = tpu.memref_slice %arg7[%scan3A_30, %dma_wait3A_47] : memref<160x64xi32, #tpu.memory_space<vmem>> -> memref<1x64xi32, #tpu.memory_space<vmem>>
        %dma_wait3A_49 = tpu.memref_squeeze %dma_wait3A_48 : memref<1x64xi32, #tpu.memory_space<vmem>> -> memref<64xi32, #tpu.memory_space<vmem>>
        %dma_wait3A_50 = arith.constant 0 : i32
        %dma_wait3A_51 = arith.constant 0 : i32
        %dma_wait3A_52 = tpu.memref_slice %arg9[%dma_wait3A_50, %dma_wait3A_51] : memref<10240x128xf32, #tpu.memory_space<vmem_shared>> -> memref<10240x128xf32, #tpu.memory_space<vmem_shared>>
        tpu.wait_indirect_dma semaphore(%run_scoped3A : memref<!tpu.dma_semaphore, #tpu.memory_space<semaphore_mem>>) src(%arg8 : memref<64x128xf32, #tpu.memory_space<vmem>>) dst(%dma_wait3A_52 : memref<10240x128xf32, #tpu.memory_space<vmem_shared>>)
        tpu.yield
      }) : () -> ()
    }
    %scan3A_22 = arith.constant 160 : i32
    %barrier3A_23 = arith.constant 0 : index
    tpu.barrier barrier_id(%barrier3A_23)
    %scan3A_24 = arith.constant 0 : i32
    %scan3A_25 = arith.constant 0 : i32
    %scan3A_26 = arith.constant 5 : i32
    %scan3A_27 = arith.addi %scan3A_25, %scan3A_26 : i32
    %scan3A_28 = arith.constant 1 : i32
    scf.for %scan3A_30 = %scan3A_25 to %scan3A_27 step %scan3A_28  : i32 {
      %mul3A_31 = arith.constant 640 : i32
      %mul3A_32 = arith.muli %arg1, %mul3A_31 : i32
      %mul3A_33 = arith.constant 128 : i32
      %mul3A_34 = arith.muli %scan3A_30, %mul3A_33 : i32
      %add3A_35 = arith.addi %mul3A_32, %mul3A_34 : i32
      "tpu.region"() ({
        %run_scoped3A = tpu.sem_alloc : memref<!tpu.dma_semaphore, #tpu.memory_space<semaphore_mem>>
        %dma_start3A = arith.constant 0 : i32
        %dma_start3A_36 = tpu.memref_slice %arg5[%arg0, %add3A_35, %dma_start3A] : memref<2x10240x128xf32, #tpu.memory_space<hbm>> -> memref<1x128x128xf32, #tpu.memory_space<hbm>>
        %dma_start3A_37 = tpu.memref_squeeze %dma_start3A_36 : memref<1x128x128xf32, #tpu.memory_space<hbm>> -> memref<128x128xf32, #tpu.memory_space<hbm>>
        %dma_start3A_38 = arith.constant 0 : i32
        %dma_start3A_39 = tpu.memref_slice %arg9[%add3A_35, %dma_start3A_38] : memref<10240x128xf32, #tpu.memory_space<vmem_shared>> -> memref<128x128xf32, #tpu.memory_space<vmem_shared>>
        tpu.enqueue_dma source(%dma_start3A_39 : memref<128x128xf32, #tpu.memory_space<vmem_shared>>) target(%dma_start3A_37 : memref<128x128xf32, #tpu.memory_space<hbm>>) target_semaphore(%run_scoped3A : memref<!tpu.dma_semaphore, #tpu.memory_space<semaphore_mem>>)
        %dma_wait3A = arith.constant 0 : i32
        %dma_wait3A_40 = tpu.memref_slice %arg5[%arg0, %add3A_35, %dma_wait3A] : memref<2x10240x128xf32, #tpu.memory_space<hbm>> -> memref<1x128x128xf32, #tpu.memory_space<hbm>>
        %dma_wait3A_41 = tpu.memref_squeeze %dma_wait3A_40 : memref<1x128x128xf32, #tpu.memory_space<hbm>> -> memref<128x128xf32, #tpu.memory_space<hbm>>
        %dma_wait3A_42 = arith.constant 0 : i32
        %dma_wait3A_43 = tpu.memref_slice %arg9[%add3A_35, %dma_wait3A_42] : memref<10240x128xf32, #tpu.memory_space<vmem_shared>> -> memref<128x128xf32, #tpu.memory_space<vmem_shared>>
        tpu.wait_dma2 semaphore(%run_scoped3A : memref<!tpu.dma_semaphore, #tpu.memory_space<semaphore_mem>>) src(%dma_wait3A_43 : memref<128x128xf32, #tpu.memory_space<vmem_shared>>) dst(%dma_wait3A_41 : memref<128x128xf32, #tpu.memory_space<hbm>>)
        tpu.yield
      }) : () -> ()
    }
    %scan3A_29 = arith.constant 5 : i32
    return
  }
}

module attributes {stable_mosaic.version = 14 : i64} {
  func.func @_lin_body(%arg0: i32, %arg1: memref<2x1000x128xf32, #tpu.memory_space<vmem>>, %arg2: memref<2x1000x128xf32, #tpu.memory_space<vmem>>, %arg3: memref<1000x128xf32, #tpu.memory_space<vmem>>, %arg4: memref<128x128xf32, #tpu.memory_space<vmem>>, %arg5: memref<128x128xf32, #tpu.memory_space<vmem>>, %arg6: memref<1x128xf32, #tpu.memory_space<vmem>>, %arg7: memref<1000x128xf32, #tpu.memory_space<vmem>>, %arg8: memref<8x128xf32, #tpu.memory_space<vmem>>, %arg9: memref<2xf32, #tpu.memory_space<smem>>) attributes {dimension_semantics = [#tpu.dimension_semantics<arbitrary>], iteration_bounds = array<i64: 10>, scalar_prefetch = 0 : i64, scratch_operands = 1 : i64, tpu.core_type = #tpu.core_type<tc>, window_params = [{transform_indices = @transform_0, window_bounds = array<i64: 2, 1000, 128>}, {transform_indices = @transform_1, window_bounds = array<i64: 2, 1000, 128>}, {transform_indices = @transform_2, window_bounds = array<i64: 1000, 128>}, {pipeline_mode = #tpu.pipeline_mode<synchronous>, transform_indices = @transform_3, window_bounds = array<i64: 128, 128>}, {pipeline_mode = #tpu.pipeline_mode<synchronous>, transform_indices = @transform_4, window_bounds = array<i64: 128, 128>}, {pipeline_mode = #tpu.pipeline_mode<synchronous>, transform_indices = @transform_5, window_bounds = array<i64: 1, 128>}, {transform_indices = @transform_6, window_bounds = array<i64: 1000, 128>}, {pipeline_mode = #tpu.pipeline_mode<synchronous>, transform_indices = @transform_7, window_bounds = array<i64: 8, 128>}]} {
    %get3A = arith.constant 0 : index
    %get3A_0 = arith.constant 0 : index
    %get3A_1 = arith.constant 0 : index
    %get3A_2 = vector.load %arg1[%get3A, %get3A_0, %get3A_1] : memref<2x1000x128xf32, #tpu.memory_space<vmem>>, vector<2x1000x128xf32>
    %slice3A = vector.extract_strided_slice %get3A_2 {offsets = [0, 0, 0], sizes = [1, 1000, 128], strides = [1, 1, 1]} : vector<2x1000x128xf32> to vector<1x1000x128xf32>
    %squeeze3A = vector.shape_cast %slice3A : vector<1x1000x128xf32> to vector<1000x128xf32>
    %slice3A_3 = vector.extract_strided_slice %get3A_2 {offsets = [1, 0, 0], sizes = [1, 1000, 128], strides = [1, 1, 1]} : vector<2x1000x128xf32> to vector<1x1000x128xf32>
    %squeeze3A_4 = vector.shape_cast %slice3A_3 : vector<1x1000x128xf32> to vector<1000x128xf32>
    %add3A = arith.addf %squeeze3A, %squeeze3A_4 : vector<1000x128xf32>
    %get3A_5 = arith.constant 0 : index
    %get3A_6 = arith.constant 0 : index
    %get3A_7 = arith.constant 0 : index
    %get3A_8 = vector.load %arg2[%get3A_5, %get3A_6, %get3A_7] : memref<2x1000x128xf32, #tpu.memory_space<vmem>>, vector<1x1000x1xf32>
    %get3A_9 = vector.shape_cast %get3A_8 : vector<1x1000x1xf32> to vector<1000x1xf32>
    %get3A_10 = arith.constant 1 : index
    %get3A_11 = arith.constant 0 : index
    %get3A_12 = arith.constant 0 : index
    %get3A_13 = vector.load %arg2[%get3A_10, %get3A_11, %get3A_12] : memref<2x1000x128xf32, #tpu.memory_space<vmem>>, vector<1x1000x1xf32>
    %get3A_14 = vector.shape_cast %get3A_13 : vector<1x1000x1xf32> to vector<1000x1xf32>
    %add3A_15 = arith.addf %get3A_9, %get3A_14 : vector<1000x1xf32>
    %max3A = arith.constant 1.000000e+00 : f32
    %max3A_16 = vector.broadcast %max3A : f32 to vector<1000x1xf32>
    %max3A_17 = arith.maximumf %add3A_15, %max3A_16 : vector<1000x1xf32>
    %div3A = arith.constant 1.000000e+00 : f32
    %div3A_18 = vector.broadcast %div3A : f32 to vector<1000x1xf32>
    %div3A_19 = arith.divf %div3A_18, %max3A_17 : vector<1000x1xf32>
    %mul3A = vector.broadcast %div3A_19 : vector<1000x1xf32> to vector<1000x128xf32>
    %mul3A_20 = arith.mulf %add3A, %mul3A : vector<1000x128xf32>
    %get3A_21 = arith.constant 0 : index
    %get3A_22 = arith.constant 0 : index
    %get3A_23 = vector.load %arg4[%get3A_21, %get3A_22] : memref<128x128xf32, #tpu.memory_space<vmem>>, vector<128x128xf32>
    %dot_general3A = arith.constant dense<0.000000e+00> : vector<1000x128xf32>
    %dot_general3A_24 = tpu.matmul %mul3A_20, %get3A_23, %dot_general3A {dimension_numbers = #tpu.dot_dimension_numbers<[1], [0], [0], [1], [0, 0, 1, 1], [], []>, transpose_lhs_hint = false} : vector<1000x128xf32>, vector<128x128xf32>, vector<1000x128xf32> -> vector<1000x128xf32>
    %get3A_25 = arith.constant 0 : index
    %get3A_26 = arith.constant 0 : index
    %get3A_27 = vector.load %arg3[%get3A_25, %get3A_26] : memref<1000x128xf32, #tpu.memory_space<vmem>>, vector<1000x128xf32>
    %get3A_28 = arith.constant 0 : index
    %get3A_29 = arith.constant 0 : index
    %get3A_30 = vector.load %arg5[%get3A_28, %get3A_29] : memref<128x128xf32, #tpu.memory_space<vmem>>, vector<128x128xf32>
    %dot_general3A_31 = arith.constant dense<0.000000e+00> : vector<1000x128xf32>
    %dot_general3A_32 = tpu.matmul %get3A_27, %get3A_30, %dot_general3A_31 {dimension_numbers = #tpu.dot_dimension_numbers<[1], [0], [0], [1], [0, 0, 1, 1], [], []>, transpose_lhs_hint = false} : vector<1000x128xf32>, vector<128x128xf32>, vector<1000x128xf32> -> vector<1000x128xf32>
    %add3A_33 = arith.addf %dot_general3A_24, %dot_general3A_32 : vector<1000x128xf32>
    %get3A_34 = arith.constant 0 : index
    %get3A_35 = arith.constant 0 : index
    %get3A_36 = vector.load %arg6[%get3A_34, %get3A_35] : memref<1x128xf32, #tpu.memory_space<vmem>>, vector<1x128xf32>
    %add3A_37 = vector.broadcast %get3A_36 : vector<1x128xf32> to vector<1000x128xf32>
    %add3A_38 = arith.addf %add3A_33, %add3A_37 : vector<1000x128xf32>
    %swap3A = arith.constant 0 : index
    %swap3A_39 = arith.constant 0 : index
    %swap3A_40 = vector.load %arg7[%swap3A, %swap3A_39] : memref<1000x128xf32, #tpu.memory_space<vmem>>, vector<1000x128xf32>
    tpu.vector_store %arg7[%swap3A, %swap3A_39], %add3A_38 {strides = array<i32>} : memref<1000x128xf32, #tpu.memory_space<vmem>>, vector<1000x128xf32>,
    %reduce_sum3A = vector.shape_cast %add3A_38 : vector<1000x128xf32> to vector<1x1000x128xf32>
    %reduce_sum3A_41 = arith.constant dense<0.000000e+00> : vector<1xf32>
    %reduce_sum3A_42 = vector.multi_reduction <add>, %reduce_sum3A, %reduce_sum3A_41 [1, 2] : vector<1x1000x128xf32> to vector<1xf32>
    %reduce_sum3A_43 = vector.shape_cast %reduce_sum3A_42 : vector<1xf32> to vector<1x1x1xf32>
    %reduce_sum3A_44 = vector.extract %reduce_sum3A_43[0, 0, 0] : f32 from vector<1x1x1xf32>
    %mul3A_45 = arith.mulf %add3A_38, %add3A_38 : vector<1000x128xf32>
    %reduce_sum3A_46 = vector.shape_cast %mul3A_45 : vector<1000x128xf32> to vector<1x1000x128xf32>
    %reduce_sum3A_47 = arith.constant dense<0.000000e+00> : vector<1xf32>
    %reduce_sum3A_48 = vector.multi_reduction <add>, %reduce_sum3A_46, %reduce_sum3A_47 [1, 2] : vector<1x1000x128xf32> to vector<1xf32>
    %reduce_sum3A_49 = vector.shape_cast %reduce_sum3A_48 : vector<1xf32> to vector<1x1x1xf32>
    %reduce_sum3A_50 = vector.extract %reduce_sum3A_49[0, 0, 0] : f32 from vector<1x1x1xf32>
    %eq3A = arith.constant 0 : i32
    %eq3A_51 = arith.cmpi eq, %arg0, %eq3A : i32
    %convert_element_type3A = arith.extui %eq3A_51 : i1 to i32
    %cond3A = arith.constant 0 : i32
    %cond3A_52 = arith.cmpi ne, %convert_element_type3A, %cond3A : i32
    scf.if %cond3A_52 {
      %swap3A_62 = arith.constant 0 : index
      %swap3A_63 = memref.load %arg9[%swap3A_62] : memref<2xf32, #tpu.memory_space<smem>>
      memref.store %reduce_sum3A_44, %arg9[%swap3A_62] : memref<2xf32, #tpu.memory_space<smem>>
      %swap3A_64 = arith.constant 1 : index
      %swap3A_65 = memref.load %arg9[%swap3A_64] : memref<2xf32, #tpu.memory_space<smem>>
      memref.store %reduce_sum3A_50, %arg9[%swap3A_64] : memref<2xf32, #tpu.memory_space<smem>>
    } else {
    }
    %gt3A = arith.constant 0 : i32
    %gt3A_53 = arith.cmpi sgt, %arg0, %gt3A : i32
    %convert_element_type3A_54 = arith.extui %gt3A_53 : i1 to i32
    %cond3A_55 = arith.constant 0 : i32
    %cond3A_56 = arith.cmpi ne, %convert_element_type3A_54, %cond3A_55 : i32
    scf.if %cond3A_56 {
      %get3A_62 = arith.constant 0 : index
      %get3A_63 = memref.load %arg9[%get3A_62] : memref<2xf32, #tpu.memory_space<smem>>
      %add3A_64 = arith.addf %get3A_63, %reduce_sum3A_44 : f32
      %swap3A_65 = arith.constant 0 : index
      %swap3A_66 = memref.load %arg9[%swap3A_65] : memref<2xf32, #tpu.memory_space<smem>>
      memref.store %add3A_64, %arg9[%swap3A_65] : memref<2xf32, #tpu.memory_space<smem>>
      %get3A_67 = arith.constant 1 : index
      %get3A_68 = memref.load %arg9[%get3A_67] : memref<2xf32, #tpu.memory_space<smem>>
      %add3A_69 = arith.addf %get3A_68, %reduce_sum3A_50 : f32
      %swap3A_70 = arith.constant 1 : index
      %swap3A_71 = memref.load %arg9[%swap3A_70] : memref<2xf32, #tpu.memory_space<smem>>
      memref.store %add3A_69, %arg9[%swap3A_70] : memref<2xf32, #tpu.memory_space<smem>>
    } else {
    }
    %eq3A_57 = arith.constant 9 : i32
    %eq3A_58 = arith.cmpi eq, %arg0, %eq3A_57 : i32
    %convert_element_type3A_59 = arith.extui %eq3A_58 : i1 to i32
    %cond3A_60 = arith.constant 0 : i32
    %cond3A_61 = arith.cmpi ne, %convert_element_type3A_59, %cond3A_60 : i32
    scf.if %cond3A_61 {
      %iota3A = tpu.iota {dimensions = array<i32: 0>} : vector<8x128xi32>
      %eq3A_62 = arith.constant 0 : i32
      %eq3A_63 = vector.broadcast %eq3A_62 : i32 to vector<8x128xi32>
      %eq3A_64 = arith.cmpi eq, %iota3A, %eq3A_63 : vector<8x128xi32>
      %get3A_65 = arith.constant 0 : index
      %get3A_66 = memref.load %arg9[%get3A_65] : memref<2xf32, #tpu.memory_space<smem>>
      %eq3A_67 = arith.constant 1 : i32
      %eq3A_68 = vector.broadcast %eq3A_67 : i32 to vector<8x128xi32>
      %eq3A_69 = arith.cmpi eq, %iota3A, %eq3A_68 : vector<8x128xi32>
      %get3A_70 = arith.constant 1 : index
      %get3A_71 = memref.load %arg9[%get3A_70] : memref<2xf32, #tpu.memory_space<smem>>
      %jit3A = arith.constant 0.000000e+00 : f32
      %broadcast_in_dim3A = vector.broadcast %get3A_71 : f32 to vector<8x128xf32>
      %broadcast_in_dim3A_72 = vector.broadcast %jit3A : f32 to vector<8x128xf32>
      %select_n3A = arith.select %eq3A_69, %broadcast_in_dim3A, %broadcast_in_dim3A_72 : vector<8x128xi1>, vector<8x128xf32>
      %broadcast_in_dim3A_73 = vector.broadcast %get3A_66 : f32 to vector<8x128xf32>
      %select_n3A_74 = arith.select %eq3A_64, %broadcast_in_dim3A_73, %select_n3A : vector<8x128xi1>, vector<8x128xf32>
      %swap3A_75 = arith.constant 0 : index
      %swap3A_76 = arith.constant 0 : index
      %swap3A_77 = vector.load %arg8[%swap3A_75, %swap3A_76] : memref<8x128xf32, #tpu.memory_space<vmem>>, vector<8x128xf32>
      tpu.vector_store %arg8[%swap3A_75, %swap3A_76], %select_n3A_74 {strides = array<i32>} : memref<8x128xf32, #tpu.memory_space<vmem>>, vector<8x128xf32>,
    } else {
    }
    return
  }
  func.func @transform_0(%arg0: i32) -> (i32, i32, i32) {
    %c0_i32 = arith.constant 0 : i32
    %c0_i32_0 = arith.constant 0 : i32
    %c0_i32_1 = arith.constant 0 : i32
    return %c0_i32, %arg0, %c0_i32_0 : i32, i32, i32
  }
  func.func @transform_1(%arg0: i32) -> (i32, i32, i32) {
    %c0_i32 = arith.constant 0 : i32
    %c0_i32_0 = arith.constant 0 : i32
    %c0_i32_1 = arith.constant 0 : i32
    return %c0_i32, %arg0, %c0_i32_0 : i32, i32, i32
  }
  func.func @transform_2(%arg0: i32) -> (i32, i32) {
    %c0_i32 = arith.constant 0 : i32
    %c0_i32_0 = arith.constant 0 : i32
    return %arg0, %c0_i32 : i32, i32
  }
  func.func @transform_3(%arg0: i32) -> (i32, i32) {
    %c0_i32 = arith.constant 0 : i32
    %c0_i32_0 = arith.constant 0 : i32
    %c0_i32_1 = arith.constant 0 : i32
    return %c0_i32, %c0_i32_0 : i32, i32
  }
  func.func @transform_4(%arg0: i32) -> (i32, i32) {
    %c0_i32 = arith.constant 0 : i32
    %c0_i32_0 = arith.constant 0 : i32
    %c0_i32_1 = arith.constant 0 : i32
    return %c0_i32, %c0_i32_0 : i32, i32
  }
  func.func @transform_5(%arg0: i32) -> (i32, i32) {
    %c0_i32 = arith.constant 0 : i32
    %c0_i32_0 = arith.constant 0 : i32
    %c0_i32_1 = arith.constant 0 : i32
    return %c0_i32, %c0_i32_0 : i32, i32
  }
  func.func @transform_6(%arg0: i32) -> (i32, i32) {
    %c0_i32 = arith.constant 0 : i32
    %c0_i32_0 = arith.constant 0 : i32
    return %arg0, %c0_i32 : i32, i32
  }
  func.func @transform_7(%arg0: i32) -> (i32, i32) {
    %c0_i32 = arith.constant 0 : i32
    %c0_i32_0 = arith.constant 0 : i32
    %c0_i32_1 = arith.constant 0 : i32
    return %c0_i32, %c0_i32_0 : i32, i32
  }
}

module attributes {stable_mosaic.version = 14 : i64} {
  func.func @_ln_body(%arg0: i32, %arg1: memref<1000x128xf32, #tpu.memory_space<vmem>>, %arg2: memref<8x128xf32, #tpu.memory_space<vmem>>, %arg3: memref<1x128xf32, #tpu.memory_space<vmem>>, %arg4: memref<1x128xf32, #tpu.memory_space<vmem>>, %arg5: memref<1000x128xf32, #tpu.memory_space<vmem>>) attributes {dimension_semantics = [#tpu.dimension_semantics<arbitrary>], iteration_bounds = array<i64: 10>, scalar_prefetch = 0 : i64, scratch_operands = 0 : i64, tpu.core_type = #tpu.core_type<tc>, window_params = [{transform_indices = @transform_0, window_bounds = array<i64: 1000, 128>}, {pipeline_mode = #tpu.pipeline_mode<synchronous>, transform_indices = @transform_1, window_bounds = array<i64: 8, 128>}, {pipeline_mode = #tpu.pipeline_mode<synchronous>, transform_indices = @transform_2, window_bounds = array<i64: 1, 128>}, {pipeline_mode = #tpu.pipeline_mode<synchronous>, transform_indices = @transform_3, window_bounds = array<i64: 1, 128>}, {transform_indices = @transform_4, window_bounds = array<i64: 1000, 128>}]} {
    %get3A = arith.constant 0 : index
    %get3A_0 = arith.constant 0 : index
    %get3A_1 = vector.load %arg2[%get3A, %get3A_0] : memref<8x128xf32, #tpu.memory_space<vmem>>, vector<1x1xf32>
    %reduce_sum3A = vector.shape_cast %get3A_1 : vector<1x1xf32> to vector<1x1x1xf32>
    %reduce_sum3A_2 = arith.constant dense<0.000000e+00> : vector<1xf32>
    %reduce_sum3A_3 = vector.multi_reduction <add>, %reduce_sum3A, %reduce_sum3A_2 [1, 2] : vector<1x1x1xf32> to vector<1xf32>
    %reduce_sum3A_4 = vector.shape_cast %reduce_sum3A_3 : vector<1xf32> to vector<1x1x1xf32>
    %reduce_sum3A_5 = vector.extract %reduce_sum3A_4[0, 0, 0] : f32 from vector<1x1x1xf32>
    %get3A_6 = arith.constant 1 : index
    %get3A_7 = arith.constant 0 : index
    %get3A_8 = vector.load %arg2[%get3A_6, %get3A_7] : memref<8x128xf32, #tpu.memory_space<vmem>>, vector<1x1xf32>
    %reduce_sum3A_9 = vector.shape_cast %get3A_8 : vector<1x1xf32> to vector<1x1x1xf32>
    %reduce_sum3A_10 = arith.constant dense<0.000000e+00> : vector<1xf32>
    %reduce_sum3A_11 = vector.multi_reduction <add>, %reduce_sum3A_9, %reduce_sum3A_10 [1, 2] : vector<1x1x1xf32> to vector<1xf32>
    %reduce_sum3A_12 = vector.shape_cast %reduce_sum3A_11 : vector<1xf32> to vector<1x1x1xf32>
    %reduce_sum3A_13 = vector.extract %reduce_sum3A_12[0, 0, 0] : f32 from vector<1x1x1xf32>
    %mul3A = arith.constant 7.812500e-07 : f32
    %mul3A_14 = arith.mulf %reduce_sum3A_5, %mul3A : f32
    %mul3A_15 = arith.constant 7.812500e-07 : f32
    %mul3A_16 = arith.mulf %reduce_sum3A_13, %mul3A_15 : f32
    %mul3A_17 = arith.mulf %mul3A_14, %mul3A_14 : f32
    %sub3A = arith.subf %mul3A_16, %mul3A_17 : f32
    %max3A = arith.constant 0.000000e+00 : f32
    %max3A_18 = arith.maximumf %sub3A, %max3A : f32
    %sqrt3A = math.sqrt %max3A_18 : f32
    %add3A = arith.constant 9.99999974E-6 : f32
    %add3A_19 = arith.addf %sqrt3A, %add3A : f32
    %div3A = arith.constant 1.000000e+00 : f32
    %div3A_20 = arith.divf %div3A, %add3A_19 : f32
    %get3A_21 = arith.constant 0 : index
    %get3A_22 = arith.constant 0 : index
    %get3A_23 = vector.load %arg1[%get3A_21, %get3A_22] : memref<1000x128xf32, #tpu.memory_space<vmem>>, vector<1000x128xf32>
    %sub3A_24 = vector.broadcast %mul3A_14 : f32 to vector<1000x128xf32>
    %sub3A_25 = arith.subf %get3A_23, %sub3A_24 : vector<1000x128xf32>
    %mul3A_26 = vector.broadcast %div3A_20 : f32 to vector<1000x128xf32>
    %mul3A_27 = arith.mulf %sub3A_25, %mul3A_26 : vector<1000x128xf32>
    %get3A_28 = arith.constant 0 : index
    %get3A_29 = arith.constant 0 : index
    %get3A_30 = vector.load %arg3[%get3A_28, %get3A_29] : memref<1x128xf32, #tpu.memory_space<vmem>>, vector<1x128xf32>
    %mul3A_31 = vector.broadcast %get3A_30 : vector<1x128xf32> to vector<1000x128xf32>
    %mul3A_32 = arith.mulf %mul3A_27, %mul3A_31 : vector<1000x128xf32>
    %get3A_33 = arith.constant 0 : index
    %get3A_34 = arith.constant 0 : index
    %get3A_35 = vector.load %arg4[%get3A_33, %get3A_34] : memref<1x128xf32, #tpu.memory_space<vmem>>, vector<1x128xf32>
    %add3A_36 = vector.broadcast %get3A_35 : vector<1x128xf32> to vector<1000x128xf32>
    %add3A_37 = arith.addf %mul3A_32, %add3A_36 : vector<1000x128xf32>
    %max3A_38 = arith.constant 0.000000e+00 : f32
    %max3A_39 = vector.broadcast %max3A_38 : f32 to vector<1000x128xf32>
    %max3A_40 = arith.maximumf %add3A_37, %max3A_39 : vector<1000x128xf32>
    %swap3A = arith.constant 0 : index
    %swap3A_41 = arith.constant 0 : index
    %swap3A_42 = vector.load %arg5[%swap3A, %swap3A_41] : memref<1000x128xf32, #tpu.memory_space<vmem>>, vector<1000x128xf32>
    tpu.vector_store %arg5[%swap3A, %swap3A_41], %max3A_40 {strides = array<i32>} : memref<1000x128xf32, #tpu.memory_space<vmem>>, vector<1000x128xf32>,
    return
  }
  func.func @transform_0(%arg0: i32) -> (i32, i32) {
    %c0_i32 = arith.constant 0 : i32
    %c0_i32_0 = arith.constant 0 : i32
    return %arg0, %c0_i32 : i32, i32
  }
  func.func @transform_1(%arg0: i32) -> (i32, i32) {
    %c0_i32 = arith.constant 0 : i32
    %c0_i32_0 = arith.constant 0 : i32
    %c0_i32_1 = arith.constant 0 : i32
    return %c0_i32, %c0_i32_0 : i32, i32
  }
  func.func @transform_2(%arg0: i32) -> (i32, i32) {
    %c0_i32 = arith.constant 0 : i32
    %c0_i32_0 = arith.constant 0 : i32
    %c0_i32_1 = arith.constant 0 : i32
    return %c0_i32, %c0_i32_0 : i32, i32
  }
  func.func @transform_3(%arg0: i32) -> (i32, i32) {
    %c0_i32 = arith.constant 0 : i32
    %c0_i32_0 = arith.constant 0 : i32
    %c0_i32_1 = arith.constant 0 : i32
    return %c0_i32, %c0_i32_0 : i32, i32
  }
  func.func @transform_4(%arg0: i32) -> (i32, i32) {
    %c0_i32 = arith.constant 0 : i32
    %c0_i32_0 = arith.constant 0 : i32
    return %arg0, %c0_i32 : i32, i32
  }
}

module attributes {stable_mosaic.version = 14 : i64} {
  func.func @_ln_res_body(%arg0: i32, %arg1: memref<1000x128xf32, #tpu.memory_space<vmem>>, %arg2: memref<8x128xf32, #tpu.memory_space<vmem>>, %arg3: memref<1x128xf32, #tpu.memory_space<vmem>>, %arg4: memref<1x128xf32, #tpu.memory_space<vmem>>, %arg5: memref<1000x128xf32, #tpu.memory_space<vmem>>, %arg6: memref<1000x128xf32, #tpu.memory_space<vmem>>) attributes {dimension_semantics = [#tpu.dimension_semantics<arbitrary>], iteration_bounds = array<i64: 10>, scalar_prefetch = 0 : i64, scratch_operands = 0 : i64, tpu.core_type = #tpu.core_type<tc>, window_params = [{transform_indices = @transform_0, window_bounds = array<i64: 1000, 128>}, {pipeline_mode = #tpu.pipeline_mode<synchronous>, transform_indices = @transform_1, window_bounds = array<i64: 8, 128>}, {pipeline_mode = #tpu.pipeline_mode<synchronous>, transform_indices = @transform_2, window_bounds = array<i64: 1, 128>}, {pipeline_mode = #tpu.pipeline_mode<synchronous>, transform_indices = @transform_3, window_bounds = array<i64: 1, 128>}, {transform_indices = @transform_4, window_bounds = array<i64: 1000, 128>}, {transform_indices = @transform_5, window_bounds = array<i64: 1000, 128>}]} {
    %get3A = arith.constant 0 : index
    %get3A_0 = arith.constant 0 : index
    %get3A_1 = vector.load %arg2[%get3A, %get3A_0] : memref<8x128xf32, #tpu.memory_space<vmem>>, vector<1x1xf32>
    %reduce_sum3A = vector.shape_cast %get3A_1 : vector<1x1xf32> to vector<1x1x1xf32>
    %reduce_sum3A_2 = arith.constant dense<0.000000e+00> : vector<1xf32>
    %reduce_sum3A_3 = vector.multi_reduction <add>, %reduce_sum3A, %reduce_sum3A_2 [1, 2] : vector<1x1x1xf32> to vector<1xf32>
    %reduce_sum3A_4 = vector.shape_cast %reduce_sum3A_3 : vector<1xf32> to vector<1x1x1xf32>
    %reduce_sum3A_5 = vector.extract %reduce_sum3A_4[0, 0, 0] : f32 from vector<1x1x1xf32>
    %get3A_6 = arith.constant 1 : index
    %get3A_7 = arith.constant 0 : index
    %get3A_8 = vector.load %arg2[%get3A_6, %get3A_7] : memref<8x128xf32, #tpu.memory_space<vmem>>, vector<1x1xf32>
    %reduce_sum3A_9 = vector.shape_cast %get3A_8 : vector<1x1xf32> to vector<1x1x1xf32>
    %reduce_sum3A_10 = arith.constant dense<0.000000e+00> : vector<1xf32>
    %reduce_sum3A_11 = vector.multi_reduction <add>, %reduce_sum3A_9, %reduce_sum3A_10 [1, 2] : vector<1x1x1xf32> to vector<1xf32>
    %reduce_sum3A_12 = vector.shape_cast %reduce_sum3A_11 : vector<1xf32> to vector<1x1x1xf32>
    %reduce_sum3A_13 = vector.extract %reduce_sum3A_12[0, 0, 0] : f32 from vector<1x1x1xf32>
    %mul3A = arith.constant 7.812500e-07 : f32
    %mul3A_14 = arith.mulf %reduce_sum3A_5, %mul3A : f32
    %mul3A_15 = arith.constant 7.812500e-07 : f32
    %mul3A_16 = arith.mulf %reduce_sum3A_13, %mul3A_15 : f32
    %mul3A_17 = arith.mulf %mul3A_14, %mul3A_14 : f32
    %sub3A = arith.subf %mul3A_16, %mul3A_17 : f32
    %max3A = arith.constant 0.000000e+00 : f32
    %max3A_18 = arith.maximumf %sub3A, %max3A : f32
    %sqrt3A = math.sqrt %max3A_18 : f32
    %add3A = arith.constant 9.99999974E-6 : f32
    %add3A_19 = arith.addf %sqrt3A, %add3A : f32
    %div3A = arith.constant 1.000000e+00 : f32
    %div3A_20 = arith.divf %div3A, %add3A_19 : f32
    %get3A_21 = arith.constant 0 : index
    %get3A_22 = arith.constant 0 : index
    %get3A_23 = vector.load %arg1[%get3A_21, %get3A_22] : memref<1000x128xf32, #tpu.memory_space<vmem>>, vector<1000x128xf32>
    %sub3A_24 = vector.broadcast %mul3A_14 : f32 to vector<1000x128xf32>
    %sub3A_25 = arith.subf %get3A_23, %sub3A_24 : vector<1000x128xf32>
    %mul3A_26 = vector.broadcast %div3A_20 : f32 to vector<1000x128xf32>
    %mul3A_27 = arith.mulf %sub3A_25, %mul3A_26 : vector<1000x128xf32>
    %get3A_28 = arith.constant 0 : index
    %get3A_29 = arith.constant 0 : index
    %get3A_30 = vector.load %arg3[%get3A_28, %get3A_29] : memref<1x128xf32, #tpu.memory_space<vmem>>, vector<1x128xf32>
    %mul3A_31 = vector.broadcast %get3A_30 : vector<1x128xf32> to vector<1000x128xf32>
    %mul3A_32 = arith.mulf %mul3A_27, %mul3A_31 : vector<1000x128xf32>
    %get3A_33 = arith.constant 0 : index
    %get3A_34 = arith.constant 0 : index
    %get3A_35 = vector.load %arg4[%get3A_33, %get3A_34] : memref<1x128xf32, #tpu.memory_space<vmem>>, vector<1x128xf32>
    %add3A_36 = vector.broadcast %get3A_35 : vector<1x128xf32> to vector<1000x128xf32>
    %add3A_37 = arith.addf %mul3A_32, %add3A_36 : vector<1000x128xf32>
    %max3A_38 = arith.constant 0.000000e+00 : f32
    %max3A_39 = vector.broadcast %max3A_38 : f32 to vector<1000x128xf32>
    %max3A_40 = arith.maximumf %add3A_37, %max3A_39 : vector<1000x128xf32>
    %get3A_41 = arith.constant 0 : index
    %get3A_42 = arith.constant 0 : index
    %get3A_43 = vector.load %arg5[%get3A_41, %get3A_42] : memref<1000x128xf32, #tpu.memory_space<vmem>>, vector<1000x128xf32>
    %add3A_44 = arith.addf %max3A_40, %get3A_43 : vector<1000x128xf32>
    %swap3A = arith.constant 0 : index
    %swap3A_45 = arith.constant 0 : index
    %swap3A_46 = vector.load %arg6[%swap3A, %swap3A_45] : memref<1000x128xf32, #tpu.memory_space<vmem>>, vector<1000x128xf32>
    tpu.vector_store %arg6[%swap3A, %swap3A_45], %add3A_44 {strides = array<i32>} : memref<1000x128xf32, #tpu.memory_space<vmem>>, vector<1000x128xf32>,
    return
  }
  func.func @transform_0(%arg0: i32) -> (i32, i32) {
    %c0_i32 = arith.constant 0 : i32
    %c0_i32_0 = arith.constant 0 : i32
    return %arg0, %c0_i32 : i32, i32
  }
  func.func @transform_1(%arg0: i32) -> (i32, i32) {
    %c0_i32 = arith.constant 0 : i32
    %c0_i32_0 = arith.constant 0 : i32
    %c0_i32_1 = arith.constant 0 : i32
    return %c0_i32, %c0_i32_0 : i32, i32
  }
  func.func @transform_2(%arg0: i32) -> (i32, i32) {
    %c0_i32 = arith.constant 0 : i32
    %c0_i32_0 = arith.constant 0 : i32
    %c0_i32_1 = arith.constant 0 : i32
    return %c0_i32, %c0_i32_0 : i32, i32
  }
  func.func @transform_3(%arg0: i32) -> (i32, i32) {
    %c0_i32 = arith.constant 0 : i32
    %c0_i32_0 = arith.constant 0 : i32
    %c0_i32_1 = arith.constant 0 : i32
    return %c0_i32, %c0_i32_0 : i32, i32
  }
  func.func @transform_4(%arg0: i32) -> (i32, i32) {
    %c0_i32 = arith.constant 0 : i32
    %c0_i32_0 = arith.constant 0 : i32
    return %arg0, %c0_i32 : i32, i32
  }
  func.func @transform_5(%arg0: i32) -> (i32, i32) {
    %c0_i32 = arith.constant 0 : i32
    %c0_i32_0 = arith.constant 0 : i32
    return %arg0, %c0_i32 : i32, i32
  }
}

</mosaic_0001>

<sc_bundles>
// kernel: kernel.12.cloned.1.call-start
scs
__scs_entry_jumppad:
0x0: {  	(pc) =	sbr.rel $0x88, $3  }
0x1: {  	(tag) =	ssettag $0x0;
	lr =	simm.s32 $0x1  }
0x2: {  	[smem:$0x3F95] =	sst lr;
	_ =	strace $0xD0000000  }
0x3: {  	_ = 	snop  }
0x4: {  	_ = 	snop  }
0x5: {  	_ = 	snop  }
0x6: {  	_ = 	snop  }
0x7: {  	_ = 	snop  }
__scs_overlays_trampoline_lowered:
0x8: {  	[smem:$0x3FA4] =	sst s0  }
0x9: {  	[smem:$0x3FA5] =	sst s1  }
0xa: {  	[smem:$0x3FA6] =	sst s2  }
0xb: {  	[smem:$0x3FA7] =	sst s3  }
0xc: {  	[smem:$0x3FA8] =	sst s4  }
0xd: {  	[smem:$0x3FA9] =	sst s5  }
0xe: {  	[smem:$0x3FAA] =	sst s6  }
0xf: {  	[smem:$0x3FAB] =	sst s7  }
0x10: {  	[smem:$0x3FAC] =	sst s8  }
0x11: {  	[smem:$0x3FAD] =	sst s9;
	s0 =	simm.s32 @!p0 $0x0  }
0x12: {  	s1 =	sld [smem:$0x3F93];
	s0 =	simm.s32 @p0 $0x1  }
0x13: {  	[smem:$0x3FAE] =	sst s0;
	s0 =	simm.s32 @!p1 $0x0  }
0x14: {  	s2 =	sld [smem:$0x3F92];
	s0 =	simm.s32 @p1 $0x1  }
0x15: {  	[smem:$0x3FAF] =	sst s0;
	s0 =	simm.s32 @!p2 $0x0  }
0x16: {  	s3 =	sld [smem:$0x3FDB];
	s0 =	simm.s32 @p2 $0x1  }
0x17: {  	s4 =	simm.s32 $0x1BF5;
	[smem:$0x3FB1] =	sst s0  }
0x18: {  	s0 =	sld [smem:$0x3F94];
	_ =	swait.ge [sflag:s4], $0x0  }
0x19: {  	s7 =	sld [smem:$0x3F95]  }
0x1a: {  	s8 =	sadd.s32 $0xFFFFE003, lr  }
0x1b: {  	s9 =	sadd.s32 $0xFFFFFEF7, lr;
	s5 =	simm.s32 $0xFFFFFFFF;
	p2 =	slt.u32 s8, $0xFFFFF086  }
0x1c: {  	p1 =	slt.u32 s9, $0xF7A;
	s5 =	simm.s32 @!p2 $0x0  }
0x1d: {  	s5 =	simm.s32 @p1 $0x1;
	p0 =	seq.s32 s7, s2  }
0x1e: {  	s7 =	smul.u32 @!p0 $0xF7A, s2;
	p2 =	seq.s32 @!p0 s5, $0x0  }
0x1f: {  	s9 =	smul.u32 $0xF7A, s1;
	s8 =	simm.s32 @!p0 $0x1BF5;
	p2 =	por !p2, p0  }
0x20: {  	[sflag:s8] =	ssyncset.s32 @!p0 $0xFFFFF086;
	s6 =	sadd.s32 @!p0 s3, s7;
	s7 =	simm.s32 @!p0 $0x108  }
0x21: {  	s3 =	sadd.s32 s3, s9;
	s6 =	sadd.s32 @!p0 $0x88, s6;
	s7 =	simm.s32 @p2 $0x1082  }
0x22: {  	[simem:s7], [sflag:s8] =	dma.local @!p0 [hbm:s6], $0xF7A  }
0x23: {  	s9 =	sor.u32 $0xD0000000, s2;
	s6 =	simm.s32 $0x108;
	_ =	swait.ge @!p0 [sflag:s8], $0x0  }
0x24: {  	s3 =	sadd.s32 $0x88, s3;
	s6 =	simm.s32 @!p1 $0x1082;
	[sflag:s4] =	ssyncset.s32 $0xFFFFF086  }
0x25: {  	[simem:s6], [sflag:s4] =	dma.local [hbm:s3], $0xF7A  }
0x26: {  	[smem:$0x3F95] =	sst s1;
	(tag) =	ssettag s2;
	_ =	strace s9  }
0x27: {  	s1 =	sld [smem:$0x3FA5]  }
0x28: {  	s2 =	sld [smem:$0x3FA6]  }
0x29: {  	s4 =	sld [smem:$0x3FA8]  }
0x2a: {  	p0 =	seq.s32 s5, $0x0;
	s5 =	sld [smem:$0x3FA9]  }
0x2b: {  	s6 =	sld [smem:$0x3FAA]  }
0x2c: {  	s7 =	sld [smem:$0x3FAB]  }
0x2d: {  	s3 =	simm.s32 $0x108;
	s8 =	sld [smem:$0x3FAC]  }
0x2e: {  	s3 =	simm.s32 @!p0 $0x1082;
	s9 =	sld [smem:$0x3FAD]  }
0x2f: {  	lr =	sadd.s32 s0, s3;
	s0 =	sld [smem:$0x3FA4]  }
0x30: {  	s3 =	sld [smem:$0x3FA7]  }
0x31: {  	[smem:$0x3FB0] =	sst s10  }
0x32: {  	s10 =	sld [smem:$0x3FAE];
	_ =	sdelay $0x3  }
0x33: {  	p0 =	seq.s32 s10, $0x1;
	s10 =	sld [smem:$0x3FB0];
	_ =	sdelay $0x3  }
0x34: {  	[smem:$0x3FB0] =	sst s10  }
0x35: {  	s10 =	sld [smem:$0x3FAF];
	_ =	sdelay $0x3  }
0x36: {  	p1 =	seq.s32 s10, $0x1;
	s10 =	sld [smem:$0x3FB0];
	_ =	sdelay $0x3  }
0x37: {  	[smem:$0x3FB0] =	sst s10  }
0x38: {  	s10 =	sld [smem:$0x3FB1]  }
0x39: {  	_ = 	snop;
	(pc) =	sbr.ind lr, $3  }
0x3a: {  	_ = 	snop  }
0x3b: {  	_ = 	snop  }
0x3c: {  	p2 =	seq.s32 s10, $0x1;
	s10 =	sld [smem:$0x3FB0]  }
0x3d: {  	_ =	shalt  }
0x3e: {  	_ =	shalt  }
0x3f: {  	_ =	shalt  }
0x40: {  	_ =	shalt  }
0x41: {  	_ =	shalt  }
0x42: {  	_ =	shalt  }
0x43: {  	_ =	shalt  }
0x44: {  	_ =	shalt  }
0x45: {  	_ =	shalt  }
0x46: {  	_ =	shalt  }
0x47: {  	_ =	shalt  }
0x48: {  	_ =	shalt  }
0x49: {  	_ =	shalt  }
0x4a: {  	_ =	shalt  }
0x4b: {  	_ =	shalt  }
0x4c: {  	_ =	shalt  }
0x4d: {  	_ =	shalt  }
0x4e: {  	_ =	shalt  }
0x4f: {  	_ =	shalt  }
0x50: {  	_ =	shalt  }
0x51: {  	_ =	shalt  }
0x52: {  	_ =	shalt  }
0x53: {  	_ =	shalt  }
0x54: {  	_ =	shalt  }
0x55: {  	_ =	shalt  }
0x56: {  	_ =	shalt  }
0x57: {  	_ =	shalt  }
0x58: {  	_ =	shalt  }
0x59: {  	_ =	shalt  }
0x5a: {  	_ =	shalt  }
0x5b: {  	_ =	shalt  }
0x5c: {  	_ =	shalt  }
0x5d: {  	_ =	shalt  }
0x5e: {  	_ =	shalt  }
0x5f: {  	_ =	shalt  }
0x60: {  	_ =	shalt  }
0x61: {  	_ =	shalt  }
0x62: {  	_ =	shalt  }
0x63: {  	_ =	shalt  }
0x64: {  	_ =	shalt  }
0x65: {  	_ =	shalt  }
0x66: {  	_ =	shalt  }
0x67: {  	_ =	shalt  }
0x68: {  	_ =	shalt  }
0x69: {  	_ =	shalt  }
0x6a: {  	_ =	shalt  }
0x6b: {  	_ =	shalt  }
0x6c: {  	_ =	shalt  }
0x6d: {  	_ =	shalt  }
0x6e: {  	_ =	shalt  }
0x6f: {  	_ =	shalt  }
0x70: {  	_ =	shalt  }
0x71: {  	_ =	shalt  }
0x72: {  	_ =	shalt  }
0x73: {  	_ =	shalt  }
0x74: {  	_ =	shalt  }
0x75: {  	_ =	shalt  }
0x76: {  	_ =	shalt  }
0x77: {  	_ =	shalt  }
0x78: {  	_ =	shalt  }
0x79: {  	_ =	shalt  }
0x7a: {  	_ =	shalt  }
0x7b: {  	_ =	shalt  }
0x7c: {  	_ =	shalt  }
0x7d: {  	_ =	shalt  }
0x7e: {  	_ =	shalt  }
0x7f: {  	_ =	shalt  }
0x80: {  	_ =	shalt  }
0x81: {  	_ =	shalt  }
0x82: {  	_ =	shalt  }
0x83: {  	_ =	shalt  }
0x84: {  	_ =	shalt  }
0x85: {  	_ =	shalt  }
0x86: {  	_ =	shalt  }
0x87: {  	_ =	shalt  }
.Lfunc_end0:
.L_simem_size_0:
called_computation.1_lowered:
.L_overlay_start_0:
0x88: {  	s2 =	sld [smem:$0x3FD9]  }
0x89: {  	s3 =	sld [smem:$0x3FFE];
	_ =	sdelay $0x1  }
0x8a: {  	s1 =	srdreg.scid  }
0x8b: {  	s0 =	sand.u32 $0x1, s1  }
0x8c: {  	s17 =	sshll.u32 s0, $0xA;
	s2 =	sadd.s32 s3, s2  }
0x8d: {  	s2 =	sadd.s32 s2, s17  }
0x8e: {  	[smem:$0x3FBC] =	sst s2  }
0x8f: {  	_ = 	snop  }
0x90: {  	s2 =	sld [smem:$0x3FC9];
	(tm) =	ssettm $0x1  }
0x91: {  	s18 =	sld [smem:$0x3FFB];
	_ =	sdelay $0x3  }
0x92: {  	_ =	strace s18  }
0x93: {  	s3 =	sld [smem:$0x3FFC];
	_ =	sdelay $0x3  }
0x94: {  	_ =	strace s3  }
0x95: {  	s3 =	sld [smem:$0x3FFD];
	_ =	sdelay $0x3  }
0x96: {  	_ =	strace s3  }
0x97: {  	_ =	strace $0x8FFFFFFF  }
0x98: {  	s19 =	sld [smem:$0x3FDB];
	_ =	sdelay $0x1  }
0x99: {  	s4 =	simm.s32 $_scs_section_size  }
0x9a: {  	s5 =	simm.s32 $_size__tile_overlayer_lowered;
	s6 =	simm.s32 $_tile_overlayer_lowered  }
0x9b: {  	s22 =	simm.s32 $0x1BFF;
	s21 =	sshll.u32 s6, $0x1;
	s3 =	sadd.s32 s4, s19  }
0x9c: {  	s7 =	simm.s32 $0x0;
	s20 =	sshll.u32 s5, $0x1;
	s5 =	sadd.s32 s21, s3  }
0x9d: {  	[timem:s7], [sflag:s22] =	dma.local [hbm:s5], s20  }
0x9e: {  	_ =	swait.ge [sflag:s22], s20  }
0x9f: {  	s4 =	ssub.s32 $0x0, s20;
	[sflag:s22] =	ssyncset.done $0x0  }
0xa0: {  	[sflag:s22] =	ssyncadd.s32 s4;
	_ =	sdelay $0x1  }
0xa1: {  	s23 =	simm.s32 $0x1B8B  }
0xa2: {  	_ =	swait.ge [sflag:s23], $0x1  }
0xa3: {  	[sflag:s23] =	ssyncset.done $0x0  }
0xa4: {  	s25 =	simm.s32 $0x1B8E;
	s24 =	sld [smem:$0x3FFE];
	[sflag:s23] =	ssyncadd.s32 $0xFFFFFFFF  }
0xa5: {  	s26 =	simm.s32 $execute0_lowered;
	[smem:$0x3FD2] =	sst s25  }
0xa6: {  	s5 =	sshll.u32 s26, $0x1;
	_ =	strace $0x80000046;
	[dreg:$0x1] =	wrdreg $0xFFFFFFFF  }
0xa7: {  	s28 =	simm.s32 $_size_execute0_lowered;
	s3 =	sadd.s32 s3, s5;
	[dreg:$0x0] =	wrdreg $0x0  }
0xa8: {  	s5 =	sshll.u32 s28, $0x1;
	[dreg:$0x2] =	wrdreg s3  }
0xa9: {  	[dreg:$0x3] =	wrdreg s5  }
0xaa: {  	[dreg:$0x4] =	wrdreg $0xC0  }
0xab: {  	_ =	task [dreg:s7], $0x5FFFF  }
0xac: {  	[dreg:$0x1] =	wrdreg $0xFFFFFFFF  }
0xad: {  	[dreg:$0x0] =	wrdreg $0x60  }
0xae: {  	[dreg:$0x2] =	wrdreg s2  }
0xaf: {  	[dreg:$0x3] =	wrdreg s24  }
0xb0: {  	[dreg:$0x4] =	wrdreg $0xC0000  }
0xb1: {  	[dreg:$0x5] =	wrdreg $0xA  }
0xb2: {  	_ =	task.clear_ibuf [dreg:s7], $0x6FFFF;
	_ =	strace $0x90000046  }
0xb3: {  	s29 =	simm.s32 $0xA;
	_ =	strace $0x80000048  }
0xb4: {  	_ =	swait.ge [sflag:s29], $0x1  }
0xb5: {  	[sflag:s29] =	ssyncadd.s32 $0xFFFFFFFF  }
0xb6: {  	_ =	strace $0x90000048  }
0xb7: {  	_ =	sfence  }
0xb8: {  	s30 =	sld [smem:$0x0];
	_ =	sdelay $0x2  }
0xb9: {  	s31 =	sshll.u32 s1, $0xD;
	s1 =	sshrl.u32 s1, $0x2  }
0xba: {  	s3 =	sand.u32 $0x4000, s31;
	s1 =	sadd.s32 s1, s30  }
0xbb: {  	s0 =	sor.u32 s3, s0;
	s1 =	sshll.u32 s1, $0x11  }
0xbc: {  	s0 =	sor.u32 s1, s0  }
0xbd: {  	s0 =	sadd.s32 $0x8F2B, s0  }
0xbe: {  	[sflag:s0] =	ssyncadd.remote.s32 $0x1  }
0xbf: {  	_ =	sfence.sel $0xFFFF  }
0xc0: {  	[dreg:$0x0] =	wrdreg $0xFFFFFFFF;
	(pc) =	sbr.abs _section_cstart, $3  }
0xc1: {  	[dreg:$0x1] =	wrdreg $0xFFFFFFFF  }
0xc2: {  	_ =	task.clear_ibuf [dreg:s7], $0x2FFFF;
	_ =	strace $0x9FFFFFFF  }
0xc3: {  	(tm) =	ssettm $0x7FFFFFFF  }
tec
execute0_lowered:
.L_overlay_start_1:
0x0: {  	(tag) =	ssettag $0x1  }
0x1: {  	s1 =	rddreg [dreg:$0x0]  }
0x2: {  	s0 =	rddreg [dreg:$0x1];
	s2 =	srdreg.scid  }
0x3: {  	s8 =	stileid.u32;
	s3 =	rddreg [dreg:$0x2];
	s4 =	simm.s32 $0x0  }
0x4: {  	s28 =	simm.s32 $0x2;
	s30 =	simm.s32 $0xA000;
	s31 =	simm.s32 $0x40  }
0x5: {  	s2 =	sand.u32 $0x1, s2;
	s5 =	sshll.u32 s8, $0x1;
	s18 =	smul.u32 $0x14000, s8  }
0x6: {  	[smem:$0x7FF] =	sst s4;
	s8 =	smul.u32 $0x50000, s8;
	s5 =	sor.u32 s2, s5  }
0x7: {  	_ =	strace $0x80000047;
	s6 =	smul.u32 $0x140000, s2;
	s2 =	ssub.s32 $0x2, s2  }
0x8: {  	s5 =	smul.u32 $0xA00, s5;
	s7 =	sshrl.u32 s2, $0x1;
	s23 =	sshrl.u32 s8, $0x2  }
0x9: {  	s26 =	sadd.s32 $0x4000, s18;
	s8 =	sadd.s32 $0x8000, s18;
	s2 =	ssub.s32 s2, s7  }
0xa: {  	s22 =	sadd.s32 s6, s18;
	s7 =	sadd.s32 s23, s3;
	s29 =	sadd.s32 s6, s26  }
0xb: {  	s19 =	sadd.s32 s6, s8;
	s23 =	sadd.s32 $0x10000, s18;
	s5 =	sadd.s32 s5, s0  }
0xc: {  	s0 =	sadd.s32 $0x2AE00, s0;
	s24 =	sshrl.u32 s22, $0x3;
	s9 =	smax.u32 s2, $0x1  }
0xd: {  	s10 =	sadd.s32 $0x2000, s7;
	s11 =	sadd.s32 $0x4000, s7;
	s12 =	sadd.s32 $0x6000, s7  }
0xe: {  	s13 =	sadd.s32 $0x8000, s7;
	s14 =	sadd.s32 $0xA000, s7;
	s15 =	sadd.s32 $0xC000, s7  }
0xf: {  	s16 =	sadd.s32 $0xE000, s7;
	s22 =	sadd.s32 $0xC000, s18;
	s20 =	sshrl.u32 s19, $0x3  }
0x10: {  	s2 =	simm.s32 $0x1;
	s21 =	sadd.s32 $0x16E00, s5;
	s5 =	sadd.s32 $0x2E00, s5  }
0x11: {  	s25 =	sadd.s32 s0, s24;
	s18 =	sadd.s32 s0, s20;
	[dreg:$0x4] =	wrdreg s21  }
0x12: {  	s24 =	sadd.s32 s26, s3;
	s26 =	sadd.s32 s22, s3;
	[dreg:$0x5] =	wrdreg s5  }
0x13: {  	[dreg:$0x6] =	wrdreg s25;
	s5 =	sshrl.u32 s29, $0x3;
	s21 =	sadd.s32 s6, s22  }
0x14: {  	s6 =	sadd.s32 s6, s23;
	s25 =	sadd.s32 s8, s3;
	s29 =	sadd.s32 s23, s3  }
0x15: {  	s22 =	sshrl.u32 s24, $0x3;
	s24 =	sshrl.u32 s26, $0x3;
	s26 =	sadd.s32 $0x12000, s7  }
0x16: {  	s17 =	sadd.s32 s0, s5;
	s19 =	sshrl.u32 s21, $0x3;
	s6 =	sshrl.u32 s6, $0x3  }
0x17: {  	s21 =	sadd.s32 $0x10000, s7;
	s23 =	sshrl.u32 s25, $0x3;
	s25 =	sshrl.u32 s29, $0x3  }
0x18: {  	v0 =	vimm.f32 $0.0e+00;
	s19 =	sadd.s32 s0, s19;
	s20 =	sadd.s32 s0, s6;
	s0 =	simm.s32 $0x0  }
.LBB2_1:
0x19: {  	s5 =	rddreg [dreg:$0x4]  }
0x1a: {  	[tilespmem:s4], [sflag:$0x2] =	stream.linear.gather [hbm4b:s5+s4], $0x5000, $0x38;
	v63 =	vld [tilespmem:$0x0]  }
0x1b: {  	_ =	swait.ge [sflag:s28], $0x5000  }
0x1c: {  	[sflag:s28] =	ssyncset.done $0x0  }
0x1d: {  	s6 =	simm.s32 $0x5000;
	s8 =	rddreg [dreg:$0x5];
	[sflag:s28] =	ssyncadd.s32 $0xFFFFB000  }
0x1e: {  	[tilespmem:s6], [sflag:$0x2] =	stream.linear.gather [hbm4b:s8+s4], $0x5000, $0x38;
	v63 =	vld [tilespmem:$0x0]  }
0x1f: {  	s29 =	simm.s32 $0x40;
	s6 =	sand.u32 $0x7E00, s4;
	_ =	swait.ge [sflag:s28], $0x5000  }
0x20: {  	s8 =	sand.u32 $0x70, s4;
	s5 =	sshrl.u32 s6, $0x2;
	[sflag:s28] =	ssyncset.done $0x0  }
0x21: {  	s6 =	sor.u32 s8, s5;
	s5 =	simm.s32 $0x0;
	[sflag:s28] =	ssyncadd.s32 $0xFFFFB000  }
.LBB2_2:
0x22: {  	p0 =	sne.s32 s29, $0x7FC0  }
0x23: {  	[tilespmem:s6+$0xA000] =	vst v0;
	s5 =	sadd.s32 $0x10, s5;
	s6 =	smov.u32 s29;
	s29 =	sadd.s32 $0x40, s29  }
.Ltmp0:
0x24: {  	(pc) =	sbr.rel @p0 .LBB2_2-.Ltmp0, $4  }
0x25: {  	_ = 	snop  }
0x26: {  	s6 =	sand.u32 $0x7E00, s6  }
0x27: {  	s8 =	sand.u32 $0x70, s5;
	s6 =	sshrl.u32 s6, $0x2  }
0x28: {  	s6 =	sor.u32 s8, s6  }
0x29: {  	[tilespmem:s6+$0xA000] =	vst v0  }
0x2a: {  	[spmem:s7] =	stream.linear.scatter [tilespmem:s30], [sflag:$0x2], $0x2000, $0x38;
	v63 =	vld [tilespmem:$0x0]  }
0x2b: {  	_ =	swait.ge [sflag:s28], $0x2000  }
0x2c: {  	[sflag:s28] =	ssyncset.done $0x0  }
0x2d: {  	[sflag:s28] =	ssyncadd.s32 $0xFFFFE000  }
0x2e: {  	[spmem:s10] =	stream.linear.scatter [tilespmem:s30], [sflag:$0x2], $0x2000, $0x38;
	v63 =	vld [tilespmem:$0x0]  }
0x2f: {  	_ =	swait.ge [sflag:s28], $0x2000  }
0x30: {  	[sflag:s28] =	ssyncset.done $0x0  }
0x31: {  	[sflag:s28] =	ssyncadd.s32 $0xFFFFE000  }
0x32: {  	[spmem:s11] =	stream.linear.scatter [tilespmem:s30], [sflag:$0x2], $0x2000, $0x38;
	v63 =	vld [tilespmem:$0x0]  }
0x33: {  	_ =	swait.ge [sflag:s28], $0x2000  }
0x34: {  	[sflag:s28] =	ssyncset.done $0x0  }
0x35: {  	[sflag:s28] =	ssyncadd.s32 $0xFFFFE000  }
0x36: {  	[spmem:s12] =	stream.linear.scatter [tilespmem:s30], [sflag:$0x2], $0x2000, $0x38;
	v63 =	vld [tilespmem:$0x0]  }
0x37: {  	_ =	swait.ge [sflag:s28], $0x2000  }
0x38: {  	[sflag:s28] =	ssyncset.done $0x0  }
0x39: {  	[sflag:s28] =	ssyncadd.s32 $0xFFFFE000  }
0x3a: {  	[spmem:s13] =	stream.linear.scatter [tilespmem:s30], [sflag:$0x2], $0x2000, $0x38;
	v63 =	vld [tilespmem:$0x0]  }
0x3b: {  	_ =	swait.ge [sflag:s28], $0x2000  }
0x3c: {  	[sflag:s28] =	ssyncset.done $0x0  }
0x3d: {  	[sflag:s28] =	ssyncadd.s32 $0xFFFFE000  }
0x3e: {  	[spmem:s14] =	stream.linear.scatter [tilespmem:s30], [sflag:$0x2], $0x2000, $0x38;
	v63 =	vld [tilespmem:$0x0]  }
0x3f: {  	_ =	swait.ge [sflag:s28], $0x2000  }
0x40: {  	[sflag:s28] =	ssyncset.done $0x0  }
0x41: {  	[sflag:s28] =	ssyncadd.s32 $0xFFFFE000  }
0x42: {  	[spmem:s15] =	stream.linear.scatter [tilespmem:s30], [sflag:$0x2], $0x2000, $0x38;
	v63 =	vld [tilespmem:$0x0]  }
0x43: {  	_ =	swait.ge [sflag:s28], $0x2000  }
0x44: {  	[sflag:s28] =	ssyncset.done $0x0  }
0x45: {  	[sflag:s28] =	ssyncadd.s32 $0xFFFFE000  }
0x46: {  	[spmem:s16] =	stream.linear.scatter [tilespmem:s30], [sflag:$0x2], $0x2000, $0x38;
	v63 =	vld [tilespmem:$0x0]  }
0x47: {  	_ =	swait.ge [sflag:s28], $0x2000  }
0x48: {  	[sflag:s28] =	ssyncset.done $0x0  }
0x49: {  	[sflag:s28] =	ssyncadd.s32 $0xFFFFE000  }
0x4a: {  	[spmem:s21] =	stream.linear.scatter [tilespmem:s30], [sflag:$0x2], $0x2000, $0x38;
	v63 =	vld [tilespmem:$0x0]  }
0x4b: {  	_ =	swait.ge [sflag:s28], $0x2000  }
0x4c: {  	[sflag:s28] =	ssyncset.done $0x0  }
0x4d: {  	[sflag:s28] =	ssyncadd.s32 $0xFFFFE000  }
0x4e: {  	[spmem:s26] =	stream.linear.scatter [tilespmem:s30], [sflag:$0x2], $0x2000, $0x38;
	v63 =	vld [tilespmem:$0x0]  }
0x4f: {  	_ =	swait.ge [sflag:s28], $0x2000  }
0x50: {  	[sflag:s28] =	ssyncset.done $0x0  }
0x51: {  	[sflag:s28] =	ssyncadd.s32 $0xFFFFE000  }
0x52: {  	s5 =	simm.s32 $0x0;
	[bflag:$0x0] =	sbarrier.arrive $0xFFFF  }
0x53: {  	[tilespmem:s30], [sflag:$0x1] =	stream.indirect.gather [hbm4b:s1+s31], $0x80, s5, s31, $0xb8;
	v63 =	vld [tilespmem:$0x0]  }
0x54: {  	_ =	swait.ge [sflag:s2], $0x2000  }
0x55: {  	[sflag:s2] =	ssyncset.done $0x0  }
0x56: {  	s8 =	simm.s32 $0x5000;
	[sflag:s2] =	ssyncadd.s32 $0xFFFFE000  }
0x57: {  	[spmem:s3] =	stream.indirect.scatter.add.f32 [tilespmem:s30], [sflag:$0x2], $0x80, s8, s31, $0xb8;
	v63 =	vld [tilespmem:$0x0]  }
0x58: {  	_ =	swait.ge [sflag:s28], $0x2000  }
0x59: {  	s29 =	simm.s32 $0x200;
	s5 =	simm.s32 $0x400;
	[sflag:s28] =	ssyncset.done $0x0  }
.LBB2_4:
0x5a: {  	s6 =	sshra.s32 s29, $0x2  }
0x5b: {  	[sflag:s28] =	ssyncadd.s32 $0xFFFFE000;
	s29 =	smov.u32 s5;
	s8 =	sadd.s32 $0x200, s5  }
0x5c: {  	[tilespmem:s30], [sflag:$0x1] =	stream.indirect.gather [hbm4b:s1+s31], $0x80, s6, s31, $0xb8;
	v63 =	vld [tilespmem:$0x0]  }
0x5d: {  	p0 =	sne.s32 s5, $0x13E00;
	_ =	swait.ge [sflag:s2], $0x2000  }
.Ltmp1:
0x5e: {  	[sflag:s2] =	ssyncset.done $0x0;
	(pc) =	sbr.rel @p0 .LBB2_4-.Ltmp1, $4  }
0x5f: {  	s5 =	sadd.s32 $0x5000, s6;
	[sflag:s2] =	ssyncadd.s32 $0xFFFFE000  }
0x60: {  	[spmem:s3] =	stream.indirect.scatter.add.f32 [tilespmem:s30], [sflag:$0x2], $0x80, s5, s31, $0xb8;
	v63 =	vld [tilespmem:$0x0]  }
0x61: {  	_ =	swait.ge [sflag:s28], $0x2000  }
0x62: {  	s5 =	smov.u32 s8;
	[sflag:s28] =	ssyncset.done $0x0  }
0x63: {  	s5 =	sshra.s32 s29, $0x2;
	[sflag:s28] =	ssyncadd.s32 $0xFFFFE000  }
0x64: {  	[tilespmem:s30], [sflag:$0x1] =	stream.indirect.gather [hbm4b:s1+s31], $0x80, s5, s31, $0xb8;
	v63 =	vld [tilespmem:$0x0]  }
0x65: {  	_ =	swait.ge [sflag:s2], $0x2000  }
0x66: {  	[sflag:s2] =	ssyncset.done $0x0  }
0x67: {  	s5 =	sadd.s32 $0x5000, s5;
	[sflag:s2] =	ssyncadd.s32 $0xFFFFE000  }
0x68: {  	[spmem:s3] =	stream.indirect.scatter.add.f32 [tilespmem:s30], [sflag:$0x2], $0x80, s5, s31, $0xb8;
	v63 =	vld [tilespmem:$0x0]  }
0x69: {  	_ =	swait.ge [sflag:s28], $0x2000  }
0x6a: {  	[sflag:s28] =	ssyncset.done $0x0  }
0x6b: {  	s29 =	stileid.u32;
	[sflag:s28] =	ssyncadd.s32 $0xFFFFE000  }
0x6c: {  	s5 =	sshll.u32 s29, $0x6;
	[bflag:$0x0] =	sbarrier.arrive $0xFFFF  }
0x6d: {  	s6 =	sshrl.u32 s7, $0x3;
	s5 =	sor.u32 $0x1C02, s5;
	s8 =	rddreg [dreg:$0x6]  }
0x6e: {  	[hbm:s8], [sflag:s5] =	dma.local [spmem:s6], $0x800  }
0x6f: {  	_ =	swait.ge [sflag:s28], $0x800  }
0x70: {  	[sflag:s28] =	ssyncset.done $0x0  }
0x71: {  	[sflag:s28] =	ssyncadd.s32 $0xFFFFF800  }
0x72: {  	[hbm:s17], [sflag:s5] =	dma.local [spmem:s22], $0x800  }
0x73: {  	_ =	swait.ge [sflag:s28], $0x800  }
0x74: {  	[sflag:s28] =	ssyncset.done $0x0  }
0x75: {  	[sflag:s28] =	ssyncadd.s32 $0xFFFFF800  }
0x76: {  	[hbm:s18], [sflag:s5] =	dma.local [spmem:s23], $0x800  }
0x77: {  	_ =	swait.ge [sflag:s28], $0x800  }
0x78: {  	[sflag:s28] =	ssyncset.done $0x0  }
0x79: {  	[sflag:s28] =	ssyncadd.s32 $0xFFFFF800  }
0x7a: {  	[hbm:s19], [sflag:s5] =	dma.local [spmem:s24], $0x800  }
0x7b: {  	s0 =	sadd.s32 $0x1, s0;
	_ =	swait.ge [sflag:s28], $0x800  }
0x7c: {  	p0 =	sne.s32 s0, s9;
	[sflag:s28] =	ssyncset.done $0x0  }
.Ltmp2:
0x7d: {  	[sflag:s28] =	ssyncadd.s32 $0xFFFFF800;
	(pc) =	sbr.rel @p0 .LBB2_1-.Ltmp2, $4  }
0x7e: {  	[hbm:s20], [sflag:s5] =	dma.local [spmem:s25], $0x800  }
0x7f: {  	_ =	swait.ge [sflag:s28], $0x800  }
0x80: {  	[sflag:s28] =	ssyncset.done $0x0  }
0x81: {  	[sflag:s28] =	ssyncadd.s32 $0xFFFFF800  }
0x82: {  	_ =	sfence.sel $0x180000  }
0x83: {  	[bflag:$0x0] =	sbarrier.arrive $0xFFFF  }
0x84: {  	_ =	strace $0x90000047  }
0x85: {  	s0 =	stileid.u32;
	[bflag:$0x2] =	sbarrier.arrive $0xFFFF  }
0x86: {  	p0 =	sne.s32 s0, $0x0;
	s0 =	rddreg [dreg:$0x3]  }
0x87: {  	s0 =	sadd.s32 @!p0 $0x100000, s0  }
0x88: {  	[sflag:s0] =	ssyncadd.tile.s32 @!p0 $0x1;
	_ =	shalt  }
.Lfunc_end2:
_tile_overlayer_lowered:
.L_overlay_start_2:
0x89: {  	(tag) =	ssettag $0x2  }
0x8a: {  	s0 =	rddreg [dreg:$0x0];
	s2 =	stileid.u32  }
0x8b: {  	s1 =	rddreg [dreg:$0x1];
	p0 =	sne.s32 s2, $0x0  }
0x8c: {  	s3 =	rddreg [dreg:$0x2];
	[bflag:$0x3] =	sbarrier.arrive $0xFFFF;
	s2 =	simm.s32 @!p0 $0x1C02  }
0x8d: {  	[timem:s3], [sflag:s2] =	dma.local @!p0 [hbm:s0], s1  }
0x8e: {  	s0 =	simm.s32 @!p0 $0x2  }
0x8f: {  	_ =	swait.ge @!p0 [sflag:s0], s1  }
0x90: {  	s1 =	ssub.s32 @!p0 $0x0, s1;
	[sflag:s0] =	ssyncset.done @!p0 $0x0  }
0x91: {  	[sflag:s0] =	ssyncadd.s32 @!p0 s1  }
0x92: {  	[bflag:$0x3] =	sbarrier.arrive $0xFFFF  }
0x93: {  	_ =	shalt  }

// kernel: kernel.15.cloned.1.call-start
scs
__scs_entry_jumppad:
0x0: {  	(pc) =	sbr.rel $0x88, $3  }
0x1: {  	(tag) =	ssettag $0x0;
	lr =	simm.s32 $0x1  }
0x2: {  	[smem:$0x3F95] =	sst lr;
	_ =	strace $0xD0000000  }
0x3: {  	_ = 	snop  }
0x4: {  	_ = 	snop  }
0x5: {  	_ = 	snop  }
0x6: {  	_ = 	snop  }
0x7: {  	_ = 	snop  }
__scs_overlays_trampoline_lowered:
0x8: {  	[smem:$0x3FA4] =	sst s0  }
0x9: {  	[smem:$0x3FA5] =	sst s1  }
0xa: {  	[smem:$0x3FA6] =	sst s2  }
0xb: {  	[smem:$0x3FA7] =	sst s3  }
0xc: {  	[smem:$0x3FA8] =	sst s4  }
0xd: {  	[smem:$0x3FA9] =	sst s5  }
0xe: {  	[smem:$0x3FAA] =	sst s6  }
0xf: {  	[smem:$0x3FAB] =	sst s7  }
0x10: {  	[smem:$0x3FAC] =	sst s8  }
0x11: {  	[smem:$0x3FAD] =	sst s9;
	s0 =	simm.s32 @!p0 $0x0  }
0x12: {  	s1 =	sld [smem:$0x3F93];
	s0 =	simm.s32 @p0 $0x1  }
0x13: {  	[smem:$0x3FAE] =	sst s0;
	s0 =	simm.s32 @!p1 $0x0  }
0x14: {  	s2 =	sld [smem:$0x3F92];
	s0 =	simm.s32 @p1 $0x1  }
0x15: {  	[smem:$0x3FAF] =	sst s0;
	s0 =	simm.s32 @!p2 $0x0  }
0x16: {  	s3 =	sld [smem:$0x3FDB];
	s0 =	simm.s32 @p2 $0x1  }
0x17: {  	s4 =	simm.s32 $0x1BF5;
	[smem:$0x3FB1] =	sst s0  }
0x18: {  	s0 =	sld [smem:$0x3F94];
	_ =	swait.ge [sflag:s4], $0x0  }
0x19: {  	s7 =	sld [smem:$0x3F95]  }
0x1a: {  	s8 =	sadd.s32 $0xFFFFE003, lr  }
0x1b: {  	s9 =	sadd.s32 $0xFFFFFEF7, lr;
	s5 =	simm.s32 $0xFFFFFFFF;
	p2 =	slt.u32 s8, $0xFFFFF086  }
0x1c: {  	p1 =	slt.u32 s9, $0xF7A;
	s5 =	simm.s32 @!p2 $0x0  }
0x1d: {  	s5 =	simm.s32 @p1 $0x1;
	p0 =	seq.s32 s7, s2  }
0x1e: {  	s7 =	smul.u32 @!p0 $0xF7A, s2;
	p2 =	seq.s32 @!p0 s5, $0x0  }
0x1f: {  	s9 =	smul.u32 $0xF7A, s1;
	s8 =	simm.s32 @!p0 $0x1BF5;
	p2 =	por !p2, p0  }
0x20: {  	[sflag:s8] =	ssyncset.s32 @!p0 $0xFFFFF086;
	s6 =	sadd.s32 @!p0 s3, s7;
	s7 =	simm.s32 @!p0 $0x108  }
0x21: {  	s3 =	sadd.s32 s3, s9;
	s6 =	sadd.s32 @!p0 $0x88, s6;
	s7 =	simm.s32 @p2 $0x1082  }
0x22: {  	[simem:s7], [sflag:s8] =	dma.local @!p0 [hbm:s6], $0xF7A  }
0x23: {  	s9 =	sor.u32 $0xD0000000, s2;
	s6 =	simm.s32 $0x108;
	_ =	swait.ge @!p0 [sflag:s8], $0x0  }
0x24: {  	s3 =	sadd.s32 $0x88, s3;
	s6 =	simm.s32 @!p1 $0x1082;
	[sflag:s4] =	ssyncset.s32 $0xFFFFF086  }
0x25: {  	[simem:s6], [sflag:s4] =	dma.local [hbm:s3], $0xF7A  }
0x26: {  	[smem:$0x3F95] =	sst s1;
	(tag) =	ssettag s2;
	_ =	strace s9  }
0x27: {  	s1 =	sld [smem:$0x3FA5]  }
0x28: {  	s2 =	sld [smem:$0x3FA6]  }
0x29: {  	s4 =	sld [smem:$0x3FA8]  }
0x2a: {  	p0 =	seq.s32 s5, $0x0;
	s5 =	sld [smem:$0x3FA9]  }
0x2b: {  	s6 =	sld [smem:$0x3FAA]  }
0x2c: {  	s7 =	sld [smem:$0x3FAB]  }
0x2d: {  	s3 =	simm.s32 $0x108;
	s8 =	sld [smem:$0x3FAC]  }
0x2e: {  	s3 =	simm.s32 @!p0 $0x1082;
	s9 =	sld [smem:$0x3FAD]  }
0x2f: {  	lr =	sadd.s32 s0, s3;
	s0 =	sld [smem:$0x3FA4]  }
0x30: {  	s3 =	sld [smem:$0x3FA7]  }
0x31: {  	[smem:$0x3FB0] =	sst s10  }
0x32: {  	s10 =	sld [smem:$0x3FAE];
	_ =	sdelay $0x3  }
0x33: {  	p0 =	seq.s32 s10, $0x1;
	s10 =	sld [smem:$0x3FB0];
	_ =	sdelay $0x3  }
0x34: {  	[smem:$0x3FB0] =	sst s10  }
0x35: {  	s10 =	sld [smem:$0x3FAF];
	_ =	sdelay $0x3  }
0x36: {  	p1 =	seq.s32 s10, $0x1;
	s10 =	sld [smem:$0x3FB0];
	_ =	sdelay $0x3  }
0x37: {  	[smem:$0x3FB0] =	sst s10  }
0x38: {  	s10 =	sld [smem:$0x3FB1]  }
0x39: {  	_ = 	snop;
	(pc) =	sbr.ind lr, $3  }
0x3a: {  	_ = 	snop  }
0x3b: {  	_ = 	snop  }
0x3c: {  	p2 =	seq.s32 s10, $0x1;
	s10 =	sld [smem:$0x3FB0]  }
0x3d: {  	_ =	shalt  }
0x3e: {  	_ =	shalt  }
0x3f: {  	_ =	shalt  }
0x40: {  	_ =	shalt  }
0x41: {  	_ =	shalt  }
0x42: {  	_ =	shalt  }
0x43: {  	_ =	shalt  }
0x44: {  	_ =	shalt  }
0x45: {  	_ =	shalt  }
0x46: {  	_ =	shalt  }
0x47: {  	_ =	shalt  }
0x48: {  	_ =	shalt  }
0x49: {  	_ =	shalt  }
0x4a: {  	_ =	shalt  }
0x4b: {  	_ =	shalt  }
0x4c: {  	_ =	shalt  }
0x4d: {  	_ =	shalt  }
0x4e: {  	_ =	shalt  }
0x4f: {  	_ =	shalt  }
0x50: {  	_ =	shalt  }
0x51: {  	_ =	shalt  }
0x52: {  	_ =	shalt  }
0x53: {  	_ =	shalt  }
0x54: {  	_ =	shalt  }
0x55: {  	_ =	shalt  }
0x56: {  	_ =	shalt  }
0x57: {  	_ =	shalt  }
0x58: {  	_ =	shalt  }
0x59: {  	_ =	shalt  }
0x5a: {  	_ =	shalt  }
0x5b: {  	_ =	shalt  }
0x5c: {  	_ =	shalt  }
0x5d: {  	_ =	shalt  }
0x5e: {  	_ =	shalt  }
0x5f: {  	_ =	shalt  }
0x60: {  	_ =	shalt  }
0x61: {  	_ =	shalt  }
0x62: {  	_ =	shalt  }
0x63: {  	_ =	shalt  }
0x64: {  	_ =	shalt  }
0x65: {  	_ =	shalt  }
0x66: {  	_ =	shalt  }
0x67: {  	_ =	shalt  }
0x68: {  	_ =	shalt  }
0x69: {  	_ =	shalt  }
0x6a: {  	_ =	shalt  }
0x6b: {  	_ =	shalt  }
0x6c: {  	_ =	shalt  }
0x6d: {  	_ =	shalt  }
0x6e: {  	_ =	shalt  }
0x6f: {  	_ =	shalt  }
0x70: {  	_ =	shalt  }
0x71: {  	_ =	shalt  }
0x72: {  	_ =	shalt  }
0x73: {  	_ =	shalt  }
0x74: {  	_ =	shalt  }
0x75: {  	_ =	shalt  }
0x76: {  	_ =	shalt  }
0x77: {  	_ =	shalt  }
0x78: {  	_ =	shalt  }
0x79: {  	_ =	shalt  }
0x7a: {  	_ =	shalt  }
0x7b: {  	_ =	shalt  }
0x7c: {  	_ =	shalt  }
0x7d: {  	_ =	shalt  }
0x7e: {  	_ =	shalt  }
0x7f: {  	_ =	shalt  }
0x80: {  	_ =	shalt  }
0x81: {  	_ =	shalt  }
0x82: {  	_ =	shalt  }
0x83: {  	_ =	shalt  }
0x84: {  	_ =	shalt  }
0x85: {  	_ =	shalt  }
0x86: {  	_ =	shalt  }
0x87: {  	_ =	shalt  }
.Lfunc_end0:
.L_simem_size_0:
called_computation.2_lowered:
.L_overlay_start_0:
0x88: {  	s2 =	sld [smem:$0x3FD9]  }
0x89: {  	s3 =	sld [smem:$0x3FFE];
	_ =	sdelay $0x1  }
0x8a: {  	s1 =	srdreg.scid  }
0x8b: {  	s0 =	sand.u32 $0x1, s1  }
0x8c: {  	s14 =	sshll.u32 s0, $0xA;
	s2 =	sadd.s32 s3, s2  }
0x8d: {  	s2 =	sadd.s32 s2, s14  }
0x8e: {  	[smem:$0x3FBC] =	sst s2  }
0x8f: {  	_ = 	snop  }
0x90: {  	s2 =	sld [smem:$0x3FD0];
	_ =	sdelay $0x2  }
0x91: {  	s15 =	simm.s32 $0xB;
	s4 =	simm.s32 $0x10  }
0x92: {  	[smem:s4], [sflag:s15] =	dma.local [hbm:s2], $0x1  }
0x93: {  	_ =	swait.eq [sflag:s15], $0x1  }
0x94: {  	[sflag:s15] =	ssyncset.done $0x0  }
0x95: {  	[sflag:s15] =	ssyncadd.s32 $0xFFFFFFFF  }
0x96: {  	s16 =	sld [smem:$0x10];
	(tm) =	ssettm $0x1  }
0x97: {  	s17 =	sld [smem:$0x3FFB];
	_ =	sdelay $0x3  }
0x98: {  	_ =	strace s17  }
0x99: {  	s3 =	sld [smem:$0x3FFC];
	_ =	sdelay $0x3  }
0x9a: {  	_ =	strace s3  }
0x9b: {  	s3 =	sld [smem:$0x3FFD];
	_ =	sdelay $0x3  }
0x9c: {  	_ =	strace s3  }
0x9d: {  	_ =	strace $0x8FFFFFFF  }
0x9e: {  	s18 =	sld [smem:$0x3FDB];
	_ =	sdelay $0x1  }
0x9f: {  	s19 =	simm.s32 $_scs_section_size  }
0xa0: {  	s5 =	simm.s32 $_size__tile_overlayer_lowered;
	s6 =	simm.s32 $_tile_overlayer_lowered  }
0xa1: {  	s22 =	simm.s32 $0x1BFF;
	s21 =	sshll.u32 s6, $0x1;
	s3 =	sadd.s32 s19, s18  }
0xa2: {  	s7 =	simm.s32 $0x0;
	s20 =	sshll.u32 s5, $0x1;
	s5 =	sadd.s32 s21, s3  }
0xa3: {  	[timem:s7], [sflag:s22] =	dma.local [hbm:s5], s20  }
0xa4: {  	_ =	swait.ge [sflag:s22], s20  }
0xa5: {  	s4 =	ssub.s32 $0x0, s20;
	[sflag:s22] =	ssyncset.done $0x0  }
0xa6: {  	[sflag:s22] =	ssyncadd.s32 s4;
	_ =	sdelay $0x1  }
0xa7: {  	s23 =	simm.s32 $0x1B8B  }
0xa8: {  	_ =	swait.ge [sflag:s23], $0x1  }
0xa9: {  	[sflag:s23] =	ssyncset.done $0x0  }
0xaa: {  	s25 =	simm.s32 $0x1B8E;
	s24 =	sld [smem:$0x3FFE];
	[sflag:s23] =	ssyncadd.s32 $0xFFFFFFFF  }
0xab: {  	s26 =	simm.s32 $execute0_lowered;
	[smem:$0x3FD2] =	sst s25  }
0xac: {  	s5 =	sshll.u32 s26, $0x1;
	_ =	strace $0x8000004C;
	[dreg:$0x1] =	wrdreg $0xFFFFFFFF  }
0xad: {  	s28 =	simm.s32 $_size_execute0_lowered;
	s3 =	sadd.s32 s3, s5;
	[dreg:$0x0] =	wrdreg $0x0  }
0xae: {  	s5 =	sshll.u32 s28, $0x1;
	[dreg:$0x2] =	wrdreg s3  }
0xaf: {  	[dreg:$0x3] =	wrdreg s5  }
0xb0: {  	[dreg:$0x4] =	wrdreg $0xC0  }
0xb1: {  	_ =	task [dreg:s7], $0x5FFFF  }
0xb2: {  	[dreg:$0x1] =	wrdreg $0xFFFFFFFF  }
0xb3: {  	[dreg:$0x0] =	wrdreg $0x60  }
0xb4: {  	[dreg:$0x2] =	wrdreg s16  }
0xb5: {  	[dreg:$0x3] =	wrdreg s24  }
0xb6: {  	[dreg:$0x4] =	wrdreg $0xC0000  }
0xb7: {  	[dreg:$0x5] =	wrdreg $0x9  }
0xb8: {  	_ =	task.clear_ibuf [dreg:s7], $0x6FFFF;
	_ =	strace $0x9000004C  }
0xb9: {  	s29 =	simm.s32 $0x9;
	_ =	strace $0x8000004E  }
0xba: {  	_ =	swait.ge [sflag:s29], $0x1  }
0xbb: {  	[sflag:s29] =	ssyncadd.s32 $0xFFFFFFFF  }
0xbc: {  	_ =	strace $0x9000004E  }
0xbd: {  	_ =	sfence  }
0xbe: {  	s30 =	sld [smem:$0x0];
	_ =	sdelay $0x2  }
0xbf: {  	s31 =	sshll.u32 s1, $0xD;
	s1 =	sshrl.u32 s1, $0x2  }
0xc0: {  	s3 =	sand.u32 $0x4000, s31;
	s1 =	sadd.s32 s1, s30  }
0xc1: {  	s0 =	sor.u32 s3, s0;
	s1 =	sshll.u32 s1, $0x11  }
0xc2: {  	s0 =	sor.u32 s1, s0  }
0xc3: {  	s0 =	sadd.s32 $0x8F2B, s0  }
0xc4: {  	[sflag:s0] =	ssyncadd.remote.s32 $0x1  }
0xc5: {  	_ =	sfence.sel $0xFFFF  }
0xc6: {  	[dreg:$0x0] =	wrdreg $0xFFFFFFFF;
	(pc) =	sbr.abs _section_cstart, $3  }
0xc7: {  	[dreg:$0x1] =	wrdreg $0xFFFFFFFF  }
0xc8: {  	_ =	task.clear_ibuf [dreg:s7], $0x2FFFF;
	_ =	strace $0x9FFFFFFF  }
0xc9: {  	(tm) =	ssettm $0x7FFFFFFF  }
tec
execute0_lowered:
.L_overlay_start_1:
0x0: {  	(tag) =	ssettag $0x1  }
0x1: {  	s1 =	rddreg [dreg:$0x0]  }
0x2: {  	s0 =	rddreg [dreg:$0x1];
	s2 =	srdreg.scid  }
0x3: {  	s8 =	stileid.u32;
	s3 =	rddreg [dreg:$0x2];
	s4 =	simm.s32 $0x0  }
0x4: {  	s28 =	simm.s32 $0x2;
	s30 =	simm.s32 $0xA000;
	s31 =	simm.s32 $0x40  }
0x5: {  	s2 =	sand.u32 $0x1, s2;
	s5 =	sshll.u32 s8, $0x1;
	s18 =	smul.u32 $0x14000, s8  }
0x6: {  	[smem:$0x7FF] =	sst s4;
	s8 =	smul.u32 $0x50000, s8;
	s5 =	sor.u32 s2, s5  }
0x7: {  	_ =	strace $0x8000004D;
	s6 =	smul.u32 $0x140000, s2;
	s2 =	ssub.s32 $0x2, s2  }
0x8: {  	s5 =	smul.u32 $0xA00, s5;
	s7 =	sshrl.u32 s2, $0x1;
	s23 =	sshrl.u32 s8, $0x2  }
0x9: {  	s26 =	sadd.s32 $0x4000, s18;
	s8 =	sadd.s32 $0x8000, s18;
	s2 =	ssub.s32 s2, s7  }
0xa: {  	s22 =	sadd.s32 s6, s18;
	s7 =	sadd.s32 s23, s3;
	s29 =	sadd.s32 s6, s26  }
0xb: {  	s19 =	sadd.s32 s6, s8;
	s23 =	sadd.s32 $0x10000, s18;
	s5 =	sadd.s32 s5, s0  }
0xc: {  	s0 =	sadd.s32 $0x2AE00, s0;
	s24 =	sshrl.u32 s22, $0x3;
	s9 =	smax.u32 s2, $0x1  }
0xd: {  	s10 =	sadd.s32 $0x2000, s7;
	s11 =	sadd.s32 $0x4000, s7;
	s12 =	sadd.s32 $0x6000, s7  }
0xe: {  	s13 =	sadd.s32 $0x8000, s7;
	s14 =	sadd.s32 $0xA000, s7;
	s15 =	sadd.s32 $0xC000, s7  }
0xf: {  	s16 =	sadd.s32 $0xE000, s7;
	s22 =	sadd.s32 $0xC000, s18;
	s20 =	sshrl.u32 s19, $0x3  }
0x10: {  	s2 =	simm.s32 $0x1;
	s21 =	sadd.s32 $0x16E00, s5;
	s5 =	sadd.s32 $0x2E00, s5  }
0x11: {  	s25 =	sadd.s32 s0, s24;
	s18 =	sadd.s32 s0, s20;
	[dreg:$0x4] =	wrdreg s21  }
0x12: {  	s24 =	sadd.s32 s26, s3;
	s26 =	sadd.s32 s22, s3;
	[dreg:$0x5] =	wrdreg s5  }
0x13: {  	[dreg:$0x6] =	wrdreg s25;
	s5 =	sshrl.u32 s29, $0x3;
	s21 =	sadd.s32 s6, s22  }
0x14: {  	s6 =	sadd.s32 s6, s23;
	s25 =	sadd.s32 s8, s3;
	s29 =	sadd.s32 s23, s3  }
0x15: {  	s22 =	sshrl.u32 s24, $0x3;
	s24 =	sshrl.u32 s26, $0x3;
	s26 =	sadd.s32 $0x12000, s7  }
0x16: {  	s17 =	sadd.s32 s0, s5;
	s19 =	sshrl.u32 s21, $0x3;
	s6 =	sshrl.u32 s6, $0x3  }
0x17: {  	s21 =	sadd.s32 $0x10000, s7;
	s23 =	sshrl.u32 s25, $0x3;
	s25 =	sshrl.u32 s29, $0x3  }
0x18: {  	v0 =	vimm.f32 $0.0e+00;
	s19 =	sadd.s32 s0, s19;
	s20 =	sadd.s32 s0, s6;
	s0 =	simm.s32 $0x0  }
.LBB2_1:
0x19: {  	s5 =	rddreg [dreg:$0x4]  }
0x1a: {  	[tilespmem:s4], [sflag:$0x2] =	stream.linear.gather [hbm4b:s5+s4], $0x5000, $0x38;
	v63 =	vld [tilespmem:$0x0]  }
0x1b: {  	_ =	swait.ge [sflag:s28], $0x5000  }
0x1c: {  	[sflag:s28] =	ssyncset.done $0x0  }
0x1d: {  	s6 =	simm.s32 $0x5000;
	s8 =	rddreg [dreg:$0x5];
	[sflag:s28] =	ssyncadd.s32 $0xFFFFB000  }
0x1e: {  	[tilespmem:s6], [sflag:$0x2] =	stream.linear.gather [hbm4b:s8+s4], $0x5000, $0x38;
	v63 =	vld [tilespmem:$0x0]  }
0x1f: {  	s29 =	simm.s32 $0x40;
	s6 =	sand.u32 $0x7E00, s4;
	_ =	swait.ge [sflag:s28], $0x5000  }
0x20: {  	s8 =	sand.u32 $0x70, s4;
	s5 =	sshrl.u32 s6, $0x2;
	[sflag:s28] =	ssyncset.done $0x0  }
0x21: {  	s6 =	sor.u32 s8, s5;
	s5 =	simm.s32 $0x0;
	[sflag:s28] =	ssyncadd.s32 $0xFFFFB000  }
.LBB2_2:
0x22: {  	p0 =	sne.s32 s29, $0x7FC0  }
0x23: {  	[tilespmem:s6+$0xA000] =	vst v0;
	s5 =	sadd.s32 $0x10, s5;
	s6 =	smov.u32 s29;
	s29 =	sadd.s32 $0x40, s29  }
.Ltmp0:
0x24: {  	(pc) =	sbr.rel @p0 .LBB2_2-.Ltmp0, $4  }
0x25: {  	_ = 	snop  }
0x26: {  	s6 =	sand.u32 $0x7E00, s6  }
0x27: {  	s8 =	sand.u32 $0x70, s5;
	s6 =	sshrl.u32 s6, $0x2  }
0x28: {  	s6 =	sor.u32 s8, s6  }
0x29: {  	[tilespmem:s6+$0xA000] =	vst v0  }
0x2a: {  	[spmem:s7] =	stream.linear.scatter [tilespmem:s30], [sflag:$0x2], $0x2000, $0x38;
	v63 =	vld [tilespmem:$0x0]  }
0x2b: {  	_ =	swait.ge [sflag:s28], $0x2000  }
0x2c: {  	[sflag:s28] =	ssyncset.done $0x0  }
0x2d: {  	[sflag:s28] =	ssyncadd.s32 $0xFFFFE000  }
0x2e: {  	[spmem:s10] =	stream.linear.scatter [tilespmem:s30], [sflag:$0x2], $0x2000, $0x38;
	v63 =	vld [tilespmem:$0x0]  }
0x2f: {  	_ =	swait.ge [sflag:s28], $0x2000  }
0x30: {  	[sflag:s28] =	ssyncset.done $0x0  }
0x31: {  	[sflag:s28] =	ssyncadd.s32 $0xFFFFE000  }
0x32: {  	[spmem:s11] =	stream.linear.scatter [tilespmem:s30], [sflag:$0x2], $0x2000, $0x38;
	v63 =	vld [tilespmem:$0x0]  }
0x33: {  	_ =	swait.ge [sflag:s28], $0x2000  }
0x34: {  	[sflag:s28] =	ssyncset.done $0x0  }
0x35: {  	[sflag:s28] =	ssyncadd.s32 $0xFFFFE000  }
0x36: {  	[spmem:s12] =	stream.linear.scatter [tilespmem:s30], [sflag:$0x2], $0x2000, $0x38;
	v63 =	vld [tilespmem:$0x0]  }
0x37: {  	_ =	swait.ge [sflag:s28], $0x2000  }
0x38: {  	[sflag:s28] =	ssyncset.done $0x0  }
0x39: {  	[sflag:s28] =	ssyncadd.s32 $0xFFFFE000  }
0x3a: {  	[spmem:s13] =	stream.linear.scatter [tilespmem:s30], [sflag:$0x2], $0x2000, $0x38;
	v63 =	vld [tilespmem:$0x0]  }
0x3b: {  	_ =	swait.ge [sflag:s28], $0x2000  }
0x3c: {  	[sflag:s28] =	ssyncset.done $0x0  }
0x3d: {  	[sflag:s28] =	ssyncadd.s32 $0xFFFFE000  }
0x3e: {  	[spmem:s14] =	stream.linear.scatter [tilespmem:s30], [sflag:$0x2], $0x2000, $0x38;
	v63 =	vld [tilespmem:$0x0]  }
0x3f: {  	_ =	swait.ge [sflag:s28], $0x2000  }
0x40: {  	[sflag:s28] =	ssyncset.done $0x0  }
0x41: {  	[sflag:s28] =	ssyncadd.s32 $0xFFFFE000  }
0x42: {  	[spmem:s15] =	stream.linear.scatter [tilespmem:s30], [sflag:$0x2], $0x2000, $0x38;
	v63 =	vld [tilespmem:$0x0]  }
0x43: {  	_ =	swait.ge [sflag:s28], $0x2000  }
0x44: {  	[sflag:s28] =	ssyncset.done $0x0  }
0x45: {  	[sflag:s28] =	ssyncadd.s32 $0xFFFFE000  }
0x46: {  	[spmem:s16] =	stream.linear.scatter [tilespmem:s30], [sflag:$0x2], $0x2000, $0x38;
	v63 =	vld [tilespmem:$0x0]  }
0x47: {  	_ =	swait.ge [sflag:s28], $0x2000  }
0x48: {  	[sflag:s28] =	ssyncset.done $0x0  }
0x49: {  	[sflag:s28] =	ssyncadd.s32 $0xFFFFE000  }
0x4a: {  	[spmem:s21] =	stream.linear.scatter [tilespmem:s30], [sflag:$0x2], $0x2000, $0x38;
	v63 =	vld [tilespmem:$0x0]  }
0x4b: {  	_ =	swait.ge [sflag:s28], $0x2000  }
0x4c: {  	[sflag:s28] =	ssyncset.done $0x0  }
0x4d: {  	[sflag:s28] =	ssyncadd.s32 $0xFFFFE000  }
0x4e: {  	[spmem:s26] =	stream.linear.scatter [tilespmem:s30], [sflag:$0x2], $0x2000, $0x38;
	v63 =	vld [tilespmem:$0x0]  }
0x4f: {  	_ =	swait.ge [sflag:s28], $0x2000  }
0x50: {  	[sflag:s28] =	ssyncset.done $0x0  }
0x51: {  	[sflag:s28] =	ssyncadd.s32 $0xFFFFE000  }
0x52: {  	s5 =	simm.s32 $0x0;
	[bflag:$0x0] =	sbarrier.arrive $0xFFFF  }
0x53: {  	[tilespmem:s30], [sflag:$0x1] =	stream.indirect.gather [hbm4b:s1+s31], $0x80, s5, s31, $0xb8;
	v63 =	vld [tilespmem:$0x0]  }
0x54: {  	_ =	swait.ge [sflag:s2], $0x2000  }
0x55: {  	[sflag:s2] =	ssyncset.done $0x0  }
0x56: {  	s8 =	simm.s32 $0x5000;
	[sflag:s2] =	ssyncadd.s32 $0xFFFFE000  }
0x57: {  	[spmem:s3] =	stream.indirect.scatter.add.f32 [tilespmem:s30], [sflag:$0x2], $0x80, s8, s31, $0xb8;
	v63 =	vld [tilespmem:$0x0]  }
0x58: {  	_ =	swait.ge [sflag:s28], $0x2000  }
0x59: {  	s29 =	simm.s32 $0x200;
	s5 =	simm.s32 $0x400;
	[sflag:s28] =	ssyncset.done $0x0  }
.LBB2_4:
0x5a: {  	s6 =	sshra.s32 s29, $0x2  }
0x5b: {  	[sflag:s28] =	ssyncadd.s32 $0xFFFFE000;
	s29 =	smov.u32 s5;
	s8 =	sadd.s32 $0x200, s5  }
0x5c: {  	[tilespmem:s30], [sflag:$0x1] =	stream.indirect.gather [hbm4b:s1+s31], $0x80, s6, s31, $0xb8;
	v63 =	vld [tilespmem:$0x0]  }
0x5d: {  	p0 =	sne.s32 s5, $0x13E00;
	_ =	swait.ge [sflag:s2], $0x2000  }
.Ltmp1:
0x5e: {  	[sflag:s2] =	ssyncset.done $0x0;
	(pc) =	sbr.rel @p0 .LBB2_4-.Ltmp1, $4  }
0x5f: {  	s5 =	sadd.s32 $0x5000, s6;
	[sflag:s2] =	ssyncadd.s32 $0xFFFFE000  }
0x60: {  	[spmem:s3] =	stream.indirect.scatter.add.f32 [tilespmem:s30], [sflag:$0x2], $0x80, s5, s31, $0xb8;
	v63 =	vld [tilespmem:$0x0]  }
0x61: {  	_ =	swait.ge [sflag:s28], $0x2000  }
0x62: {  	s5 =	smov.u32 s8;
	[sflag:s28] =	ssyncset.done $0x0  }
0x63: {  	s5 =	sshra.s32 s29, $0x2;
	[sflag:s28] =	ssyncadd.s32 $0xFFFFE000  }
0x64: {  	[tilespmem:s30], [sflag:$0x1] =	stream.indirect.gather [hbm4b:s1+s31], $0x80, s5, s31, $0xb8;
	v63 =	vld [tilespmem:$0x0]  }
0x65: {  	_ =	swait.ge [sflag:s2], $0x2000  }
0x66: {  	[sflag:s2] =	ssyncset.done $0x0  }
0x67: {  	s5 =	sadd.s32 $0x5000, s5;
	[sflag:s2] =	ssyncadd.s32 $0xFFFFE000  }
0x68: {  	[spmem:s3] =	stream.indirect.scatter.add.f32 [tilespmem:s30], [sflag:$0x2], $0x80, s5, s31, $0xb8;
	v63 =	vld [tilespmem:$0x0]  }
0x69: {  	_ =	swait.ge [sflag:s28], $0x2000  }
0x6a: {  	[sflag:s28] =	ssyncset.done $0x0  }
0x6b: {  	s29 =	stileid.u32;
	[sflag:s28] =	ssyncadd.s32 $0xFFFFE000  }
0x6c: {  	s5 =	sshll.u32 s29, $0x6;
	[bflag:$0x0] =	sbarrier.arrive $0xFFFF  }
0x6d: {  	s6 =	sshrl.u32 s7, $0x3;
	s5 =	sor.u32 $0x1C02, s5;
	s8 =	rddreg [dreg:$0x6]  }
0x6e: {  	[hbm:s8], [sflag:s5] =	dma.local [spmem:s6], $0x800  }
0x6f: {  	_ =	swait.ge [sflag:s28], $0x800  }
0x70: {  	[sflag:s28] =	ssyncset.done $0x0  }
0x71: {  	[sflag:s28] =	ssyncadd.s32 $0xFFFFF800  }
0x72: {  	[hbm:s17], [sflag:s5] =	dma.local [spmem:s22], $0x800  }
0x73: {  	_ =	swait.ge [sflag:s28], $0x800  }
0x74: {  	[sflag:s28] =	ssyncset.done $0x0  }
0x75: {  	[sflag:s28] =	ssyncadd.s32 $0xFFFFF800  }
0x76: {  	[hbm:s18], [sflag:s5] =	dma.local [spmem:s23], $0x800  }
0x77: {  	_ =	swait.ge [sflag:s28], $0x800  }
0x78: {  	[sflag:s28] =	ssyncset.done $0x0  }
0x79: {  	[sflag:s28] =	ssyncadd.s32 $0xFFFFF800  }
0x7a: {  	[hbm:s19], [sflag:s5] =	dma.local [spmem:s24], $0x800  }
0x7b: {  	s0 =	sadd.s32 $0x1, s0;
	_ =	swait.ge [sflag:s28], $0x800  }
0x7c: {  	p0 =	sne.s32 s0, s9;
	[sflag:s28] =	ssyncset.done $0x0  }
.Ltmp2:
0x7d: {  	[sflag:s28] =	ssyncadd.s32 $0xFFFFF800;
	(pc) =	sbr.rel @p0 .LBB2_1-.Ltmp2, $4  }
0x7e: {  	[hbm:s20], [sflag:s5] =	dma.local [spmem:s25], $0x800  }
0x7f: {  	_ =	swait.ge [sflag:s28], $0x800  }
0x80: {  	[sflag:s28] =	ssyncset.done $0x0  }
0x81: {  	[sflag:s28] =	ssyncadd.s32 $0xFFFFF800  }
0x82: {  	_ =	sfence.sel $0x180000  }
0x83: {  	[bflag:$0x0] =	sbarrier.arrive $0xFFFF  }
0x84: {  	_ =	strace $0x9000004D  }
0x85: {  	s0 =	stileid.u32;
	[bflag:$0x2] =	sbarrier.arrive $0xFFFF  }
0x86: {  	p0 =	sne.s32 s0, $0x0;
	s0 =	rddreg [dreg:$0x3]  }
0x87: {  	s0 =	sadd.s32 @!p0 $0x100000, s0  }
0x88: {  	[sflag:s0] =	ssyncadd.tile.s32 @!p0 $0x1;
	_ =	shalt  }
.Lfunc_end2:
_tile_overlayer_lowered:
.L_overlay_start_2:
0x89: {  	(tag) =	ssettag $0x2  }
0x8a: {  	s0 =	rddreg [dreg:$0x0];
	s2 =	stileid.u32  }
0x8b: {  	s1 =	rddreg [dreg:$0x1];
	p0 =	sne.s32 s2, $0x0  }
0x8c: {  	s3 =	rddreg [dreg:$0x2];
	[bflag:$0x3] =	sbarrier.arrive $0xFFFF;
	s2 =	simm.s32 @!p0 $0x1C02  }
0x8d: {  	[timem:s3], [sflag:s2] =	dma.local @!p0 [hbm:s0], s1  }
0x8e: {  	s0 =	simm.s32 @!p0 $0x2  }
0x8f: {  	_ =	swait.ge @!p0 [sflag:s0], s1  }
0x90: {  	s1 =	ssub.s32 @!p0 $0x0, s1;
	[sflag:s0] =	ssyncset.done @!p0 $0x0  }
0x91: {  	[sflag:s0] =	ssyncadd.s32 @!p0 s1  }
0x92: {  	[bflag:$0x3] =	sbarrier.arrive $0xFFFF  }
0x93: {  	_ =	shalt  }

// kernel: kernel.9.cloned.1.call-start
scs
__scs_entry_jumppad:
0x0: {  	(pc) =	sbr.rel $0x88, $3  }
0x1: {  	(tag) =	ssettag $0x0;
	lr =	simm.s32 $0x1  }
0x2: {  	[smem:$0x3F95] =	sst lr;
	_ =	strace $0xD0000000  }
0x3: {  	_ = 	snop  }
0x4: {  	_ = 	snop  }
0x5: {  	_ = 	snop  }
0x6: {  	_ = 	snop  }
0x7: {  	_ = 	snop  }
__scs_overlays_trampoline_lowered:
0x8: {  	[smem:$0x3FA4] =	sst s0  }
0x9: {  	[smem:$0x3FA5] =	sst s1  }
0xa: {  	[smem:$0x3FA6] =	sst s2  }
0xb: {  	[smem:$0x3FA7] =	sst s3  }
0xc: {  	[smem:$0x3FA8] =	sst s4  }
0xd: {  	[smem:$0x3FA9] =	sst s5  }
0xe: {  	[smem:$0x3FAA] =	sst s6  }
0xf: {  	[smem:$0x3FAB] =	sst s7  }
0x10: {  	[smem:$0x3FAC] =	sst s8  }
0x11: {  	[smem:$0x3FAD] =	sst s9;
	s0 =	simm.s32 @!p0 $0x0  }
0x12: {  	s1 =	sld [smem:$0x3F93];
	s0 =	simm.s32 @p0 $0x1  }
0x13: {  	[smem:$0x3FAE] =	sst s0;
	s0 =	simm.s32 @!p1 $0x0  }
0x14: {  	s2 =	sld [smem:$0x3F92];
	s0 =	simm.s32 @p1 $0x1  }
0x15: {  	[smem:$0x3FAF] =	sst s0;
	s0 =	simm.s32 @!p2 $0x0  }
0x16: {  	s3 =	sld [smem:$0x3FDB];
	s0 =	simm.s32 @p2 $0x1  }
0x17: {  	s4 =	simm.s32 $0x1BF5;
	[smem:$0x3FB1] =	sst s0  }
0x18: {  	s0 =	sld [smem:$0x3F94];
	_ =	swait.ge [sflag:s4], $0x0  }
0x19: {  	s7 =	sld [smem:$0x3F95]  }
0x1a: {  	s8 =	sadd.s32 $0xFFFFE003, lr  }
0x1b: {  	s9 =	sadd.s32 $0xFFFFFEF7, lr;
	s5 =	simm.s32 $0xFFFFFFFF;
	p2 =	slt.u32 s8, $0xFFFFF086  }
0x1c: {  	p1 =	slt.u32 s9, $0xF7A;
	s5 =	simm.s32 @!p2 $0x0  }
0x1d: {  	s5 =	simm.s32 @p1 $0x1;
	p0 =	seq.s32 s7, s2  }
0x1e: {  	s7 =	smul.u32 @!p0 $0xF7A, s2;
	p2 =	seq.s32 @!p0 s5, $0x0  }
0x1f: {  	s9 =	smul.u32 $0xF7A, s1;
	s8 =	simm.s32 @!p0 $0x1BF5;
	p2 =	por !p2, p0  }
0x20: {  	[sflag:s8] =	ssyncset.s32 @!p0 $0xFFFFF086;
	s6 =	sadd.s32 @!p0 s3, s7;
	s7 =	simm.s32 @!p0 $0x108  }
0x21: {  	s3 =	sadd.s32 s3, s9;
	s6 =	sadd.s32 @!p0 $0x88, s6;
	s7 =	simm.s32 @p2 $0x1082  }
0x22: {  	[simem:s7], [sflag:s8] =	dma.local @!p0 [hbm:s6], $0xF7A  }
0x23: {  	s9 =	sor.u32 $0xD0000000, s2;
	s6 =	simm.s32 $0x108;
	_ =	swait.ge @!p0 [sflag:s8], $0x0  }
0x24: {  	s3 =	sadd.s32 $0x88, s3;
	s6 =	simm.s32 @!p1 $0x1082;
	[sflag:s4] =	ssyncset.s32 $0xFFFFF086  }
0x25: {  	[simem:s6], [sflag:s4] =	dma.local [hbm:s3], $0xF7A  }
0x26: {  	[smem:$0x3F95] =	sst s1;
	(tag) =	ssettag s2;
	_ =	strace s9  }
0x27: {  	s1 =	sld [smem:$0x3FA5]  }
0x28: {  	s2 =	sld [smem:$0x3FA6]  }
0x29: {  	s4 =	sld [smem:$0x3FA8]  }
0x2a: {  	p0 =	seq.s32 s5, $0x0;
	s5 =	sld [smem:$0x3FA9]  }
0x2b: {  	s6 =	sld [smem:$0x3FAA]  }
0x2c: {  	s7 =	sld [smem:$0x3FAB]  }
0x2d: {  	s3 =	simm.s32 $0x108;
	s8 =	sld [smem:$0x3FAC]  }
0x2e: {  	s3 =	simm.s32 @!p0 $0x1082;
	s9 =	sld [smem:$0x3FAD]  }
0x2f: {  	lr =	sadd.s32 s0, s3;
	s0 =	sld [smem:$0x3FA4]  }
0x30: {  	s3 =	sld [smem:$0x3FA7]  }
0x31: {  	[smem:$0x3FB0] =	sst s10  }
0x32: {  	s10 =	sld [smem:$0x3FAE];
	_ =	sdelay $0x3  }
0x33: {  	p0 =	seq.s32 s10, $0x1;
	s10 =	sld [smem:$0x3FB0];
	_ =	sdelay $0x3  }
0x34: {  	[smem:$0x3FB0] =	sst s10  }
0x35: {  	s10 =	sld [smem:$0x3FAF];
	_ =	sdelay $0x3  }
0x36: {  	p1 =	seq.s32 s10, $0x1;
	s10 =	sld [smem:$0x3FB0];
	_ =	sdelay $0x3  }
0x37: {  	[smem:$0x3FB0] =	sst s10  }
0x38: {  	s10 =	sld [smem:$0x3FB1]  }
0x39: {  	_ = 	snop;
	(pc) =	sbr.ind lr, $3  }
0x3a: {  	_ = 	snop  }
0x3b: {  	_ = 	snop  }
0x3c: {  	p2 =	seq.s32 s10, $0x1;
	s10 =	sld [smem:$0x3FB0]  }
0x3d: {  	_ =	shalt  }
0x3e: {  	_ =	shalt  }
0x3f: {  	_ =	shalt  }
0x40: {  	_ =	shalt  }
0x41: {  	_ =	shalt  }
0x42: {  	_ =	shalt  }
0x43: {  	_ =	shalt  }
0x44: {  	_ =	shalt  }
0x45: {  	_ =	shalt  }
0x46: {  	_ =	shalt  }
0x47: {  	_ =	shalt  }
0x48: {  	_ =	shalt  }
0x49: {  	_ =	shalt  }
0x4a: {  	_ =	shalt  }
0x4b: {  	_ =	shalt  }
0x4c: {  	_ =	shalt  }
0x4d: {  	_ =	shalt  }
0x4e: {  	_ =	shalt  }
0x4f: {  	_ =	shalt  }
0x50: {  	_ =	shalt  }
0x51: {  	_ =	shalt  }
0x52: {  	_ =	shalt  }
0x53: {  	_ =	shalt  }
0x54: {  	_ =	shalt  }
0x55: {  	_ =	shalt  }
0x56: {  	_ =	shalt  }
0x57: {  	_ =	shalt  }
0x58: {  	_ =	shalt  }
0x59: {  	_ =	shalt  }
0x5a: {  	_ =	shalt  }
0x5b: {  	_ =	shalt  }
0x5c: {  	_ =	shalt  }
0x5d: {  	_ =	shalt  }
0x5e: {  	_ =	shalt  }
0x5f: {  	_ =	shalt  }
0x60: {  	_ =	shalt  }
0x61: {  	_ =	shalt  }
0x62: {  	_ =	shalt  }
0x63: {  	_ =	shalt  }
0x64: {  	_ =	shalt  }
0x65: {  	_ =	shalt  }
0x66: {  	_ =	shalt  }
0x67: {  	_ =	shalt  }
0x68: {  	_ =	shalt  }
0x69: {  	_ =	shalt  }
0x6a: {  	_ =	shalt  }
0x6b: {  	_ =	shalt  }
0x6c: {  	_ =	shalt  }
0x6d: {  	_ =	shalt  }
0x6e: {  	_ =	shalt  }
0x6f: {  	_ =	shalt  }
0x70: {  	_ =	shalt  }
0x71: {  	_ =	shalt  }
0x72: {  	_ =	shalt  }
0x73: {  	_ =	shalt  }
0x74: {  	_ =	shalt  }
0x75: {  	_ =	shalt  }
0x76: {  	_ =	shalt  }
0x77: {  	_ =	shalt  }
0x78: {  	_ =	shalt  }
0x79: {  	_ =	shalt  }
0x7a: {  	_ =	shalt  }
0x7b: {  	_ =	shalt  }
0x7c: {  	_ =	shalt  }
0x7d: {  	_ =	shalt  }
0x7e: {  	_ =	shalt  }
0x7f: {  	_ =	shalt  }
0x80: {  	_ =	shalt  }
0x81: {  	_ =	shalt  }
0x82: {  	_ =	shalt  }
0x83: {  	_ =	shalt  }
0x84: {  	_ =	shalt  }
0x85: {  	_ =	shalt  }
0x86: {  	_ =	shalt  }
0x87: {  	_ =	shalt  }
.Lfunc_end0:
.L_simem_size_0:
called_computation_lowered:
.L_overlay_start_0:
0x88: {  	s2 =	sld [smem:$0x3FD9]  }
0x89: {  	s3 =	sld [smem:$0x3FFE];
	_ =	sdelay $0x1  }
0x8a: {  	s1 =	srdreg.scid  }
0x8b: {  	s0 =	sand.u32 $0x1, s1  }
0x8c: {  	s17 =	sshll.u32 s0, $0xA;
	s2 =	sadd.s32 s3, s2  }
0x8d: {  	s2 =	sadd.s32 s2, s17  }
0x8e: {  	[smem:$0x3FBC] =	sst s2  }
0x8f: {  	_ = 	snop  }
0x90: {  	(tm) =	ssettm $0x1  }
0x91: {  	s18 =	sld [smem:$0x3FFB];
	_ =	sdelay $0x3  }
0x92: {  	_ =	strace s18  }
0x93: {  	s2 =	sld [smem:$0x3FFC];
	_ =	sdelay $0x3  }
0x94: {  	_ =	strace s2  }
0x95: {  	s2 =	sld [smem:$0x3FFD];
	_ =	sdelay $0x3  }
0x96: {  	_ =	strace s2  }
0x97: {  	_ =	strace $0x8FFFFFFF  }
0x98: {  	s19 =	sld [smem:$0x3FDB];
	_ =	sdelay $0x1  }
0x99: {  	s20 =	simm.s32 $_scs_section_size  }
0x9a: {  	s4 =	simm.s32 $_size__tile_overlayer_lowered;
	s5 =	simm.s32 $_tile_overlayer_lowered  }
0x9b: {  	s6 =	simm.s32 $0x1BFF;
	s21 =	sshll.u32 s5, $0x1;
	s3 =	sadd.s32 s20, s19  }
0x9c: {  	s22 =	simm.s32 $0x0;
	s4 =	sshll.u32 s4, $0x1;
	s5 =	sadd.s32 s21, s3  }
0x9d: {  	[timem:s22], [sflag:s6] =	dma.local [hbm:s5], s4  }
0x9e: {  	_ =	swait.ge [sflag:s6], s4  }
0x9f: {  	s4 =	ssub.s32 $0x0, s4;
	[sflag:s6] =	ssyncset.done $0x0  }
0xa0: {  	[sflag:s6] =	ssyncadd.s32 s4;
	_ =	sdelay $0x1  }
0xa1: {  	s23 =	simm.s32 $0x1B8B  }
0xa2: {  	_ =	swait.ge [sflag:s23], $0x1  }
0xa3: {  	[sflag:s23] =	ssyncset.done $0x0  }
0xa4: {  	[sflag:s23] =	ssyncadd.s32 $0xFFFFFFFF  }
0xa5: {  	s4 =	sld [smem:$0x0]  }
0xa6: {  	s5 =	sand.u32 $0xFFFFFFFE, s1  }
0xa7: {  	p0 =	sne.s32 s1, s5  }
0xa8: {  	s5 =	sshll.u32 @p0 s5, $0xE  }
0xa9: {  	s5 =	sadd.s32 @p0 $0x11B8D, s5;
	s6 =	sshll.u32 @p0 s4, $0x11  }
0xaa: {  	s5 =	sor.u32 @p0 s6, s5  }
0xab: {  	[sflag:s5] =	ssyncadd.remote.s32 @p0 $0x1;
	_ =	sdelay $0x1  }
0xac: {  	s5 =	simm.s32 @p0 $0x1B8D  }
0xad: {  	_ =	swait.eq @p0 [sflag:s5], $0x1  }
0xae: {  	[sflag:s5] =	ssyncadd.s32 @p0 $0xFFFFFFFF  }
0xaf: {  	s6 =	sshll.u32 @!p0 s1, $0xE  }
0xb0: {  	s6 =	sor.u32 @!p0 $0x4000, s6;
	s5 =	simm.s32 @!p0 $0x1B8D  }
0xb1: {  	s4 =	sshll.u32 @!p0 s4, $0x11;
	s6 =	sadd.s32 @!p0 $0x11B8D, s6;
	_ =	swait.eq @!p0 [sflag:s5], $0x1  }
0xb2: {  	s4 =	sor.u32 @!p0 s4, s6;
	[sflag:s5] =	ssyncadd.s32 @!p0 $0xFFFFFFFF  }
0xb3: {  	s25 =	simm.s32 $0x1B8E;
	s24 =	sld [smem:$0x3FFE];
	[sflag:s4] =	ssyncadd.remote.s32 @!p0 $0x1  }
0xb4: {  	s26 =	simm.s32 $execute0_lowered;
	[smem:$0x3FD2] =	sst s25  }
0xb5: {  	s5 =	sshll.u32 s26, $0x1;
	_ =	strace $0x80000049;
	[dreg:$0x1] =	wrdreg $0xFFFFFFFF  }
0xb6: {  	s28 =	simm.s32 $_size_execute0_lowered;
	s3 =	sadd.s32 s3, s5;
	[dreg:$0x0] =	wrdreg $0x0  }
0xb7: {  	s5 =	sshll.u32 s28, $0x1;
	[dreg:$0x2] =	wrdreg s3  }
0xb8: {  	[dreg:$0x3] =	wrdreg s5  }
0xb9: {  	[dreg:$0x4] =	wrdreg $0xC0  }
0xba: {  	_ =	task [dreg:s22], $0x5FFFF  }
0xbb: {  	[dreg:$0x1] =	wrdreg $0xFFFFFFFF  }
0xbc: {  	[dreg:$0x0] =	wrdreg $0x60  }
0xbd: {  	[dreg:$0x2] =	wrdreg s24  }
0xbe: {  	[dreg:$0x3] =	wrdreg $0x90000  }
0xbf: {  	[dreg:$0x4] =	wrdreg $0x9  }
0xc0: {  	_ =	task.clear_ibuf [dreg:s22], $0x5FFFF;
	_ =	strace $0x90000049  }
0xc1: {  	s29 =	simm.s32 $0x9;
	_ =	strace $0x8000004B  }
0xc2: {  	_ =	swait.ge [sflag:s29], $0x1  }
0xc3: {  	[sflag:s29] =	ssyncadd.s32 $0xFFFFFFFF  }
0xc4: {  	_ =	strace $0x9000004B  }
0xc5: {  	_ =	sfence  }
0xc6: {  	s30 =	sld [smem:$0x0];
	_ =	sdelay $0x2  }
0xc7: {  	s31 =	sshll.u32 s1, $0xD;
	s1 =	sshrl.u32 s1, $0x2  }
0xc8: {  	s4 =	sand.u32 $0x4000, s31;
	s1 =	sadd.s32 s1, s30  }
0xc9: {  	s0 =	sor.u32 s4, s0;
	s1 =	sshll.u32 s1, $0x11  }
0xca: {  	s0 =	sor.u32 s1, s0  }
0xcb: {  	s0 =	sadd.s32 $0x8F2B, s0  }
0xcc: {  	[sflag:s0] =	ssyncadd.remote.s32 $0x1  }
0xcd: {  	_ =	sfence.sel $0xFFFF  }
0xce: {  	[dreg:$0x0] =	wrdreg $0xFFFFFFFF;
	(pc) =	sbr.abs _section_cstart, $3  }
0xcf: {  	[dreg:$0x1] =	wrdreg $0xFFFFFFFF  }
0xd0: {  	_ =	task.clear_ibuf [dreg:s22], $0x2FFFF;
	_ =	strace $0x9FFFFFFF  }
0xd1: {  	(tm) =	ssettm $0x7FFFFFFF  }
tec
execute0_lowered:
.L_overlay_start_1:
0x0: {  	(tag) =	ssettag $0x1  }
0x1: {  	s1 =	srdreg.scid;
	s4 =	rddreg [dreg:$0x0]  }
0x2: {  	s0 =	stileid.u32;
	s2 =	rddreg [dreg:$0x1]  }
0x3: {  	s24 =	simm.s32 $0x0;
	s28 =	simm.s32 $0x40;
	s29 =	simm.s32 $0x5000  }
0x4: {  	s30 =	simm.s32 $0x0;
	s1 =	sand.u32 $0x1, s1;
	s18 =	smul.u32 $0x14000, s0  }
0x5: {  	s3 =	sshll.u32 s0, $0x1;
	[smem:$0x7FF] =	sst s24;
	s6 =	smul.u32 $0x50000, s0  }
0x6: {  	s20 =	sadd.s32 $0x7AE00, s4;
	s5 =	sor.u32 s1, s3;
	s19 =	smul.u32 $0x140000, s1  }
0x7: {  	_ =	strace $0x8000004A;
	s1 =	ssub.s32 $0x2, s1;
	s5 =	smul.u32 $0xA00, s5  }
0x8: {  	s25 =	sshrl.u32 s1, $0x1;
	s6 =	sshrl.u32 s6, $0x2;
	s26 =	sadd.s32 $0x4000, s18  }
0x9: {  	s21 =	sadd.s32 $0x8000, s18;
	s23 =	sadd.s32 $0xC000, s18;
	s7 =	sadd.s32 s19, s18  }
0xa: {  	s1 =	ssub.s32 s1, s25;
	s16 =	sadd.s32 s19, s26;
	s22 =	sadd.s32 s19, s21  }
0xb: {  	s24 =	sadd.s32 s19, s23;
	s25 =	sadd.s32 $0x10000, s18;
	s5 =	sadd.s32 s5, s4  }
0xc: {  	s7 =	sshrl.u32 s7, $0x3;
	s17 =	sshrl.u32 s16, $0x3;
	s22 =	sshrl.u32 s22, $0x3  }
0xd: {  	s31 =	sshrl.u32 s24, $0x3;
	s3 =	sadd.s32 s19, s25;
	s25 =	sadd.s32 s25, s2  }
0xe: {  	s4 =	sadd.s32 $0x2E00, s5;
	s5 =	sadd.s32 s6, s2;
	s6 =	sadd.s32 s20, s7  }
0xf: {  	s7 =	smax.u32 s1, $0x1;
	s17 =	sadd.s32 s20, s17;
	s1 =	sadd.s32 s26, s2  }
0x10: {  	s18 =	sadd.s32 s20, s22;
	s26 =	sadd.s32 s21, s2;
	s19 =	sadd.s32 s20, s31  }
0x11: {  	s24 =	sshrl.u32 s3, $0x3;
	s31 =	sadd.s32 s23, s2;
	s21 =	simm.s32 $0x1  }
0x12: {  	s25 =	sshrl.u32 s25, $0x3;
	s8 =	sadd.s32 $0x2000, s5;
	s9 =	sadd.s32 $0x4000, s5  }
0x13: {  	s10 =	sadd.s32 $0x6000, s5;
	s11 =	sadd.s32 $0x8000, s5;
	s12 =	sadd.s32 $0xA000, s5  }
0x14: {  	s13 =	sadd.s32 $0xC000, s5;
	s14 =	sadd.s32 $0xE000, s5;
	s15 =	sadd.s32 $0x10000, s5  }
0x15: {  	s16 =	sadd.s32 $0x12000, s5;
	s20 =	sadd.s32 s20, s24;
	s22 =	sshrl.u32 s1, $0x3  }
0x16: {  	v0 =	vimm.f32 $1.000000000e+00;
	v1 =	vimm.f32 $0.0e+00;
	s23 =	sshrl.u32 s26, $0x3;
	s24 =	sshrl.u32 s31, $0x3;
	s26 =	simm.s32 $0x7000  }
.LBB2_1:
0x17: {  	s1 =	simm.s32 $0x0  }
0x18: {  	[tilespmem:s1], [sflag:$0x1] =	stream.linear.gather [hbm4b:s4+s1], $0x5000, $0x38;
	[tilespmem:$0x1D000] =	vst v63  }
0x19: {  	_ =	swait.ge [sflag:s21], $0x5000  }
0x1a: {  	[sflag:s21] =	ssyncset.done $0x0  }
0x1b: {  	s31 =	simm.s32 $0x40;
	s1 =	simm.s32 $0x0;
	[sflag:s21] =	ssyncadd.s32 $0xFFFFB000  }
.LBB2_2:
0x1c: {  	p0 =	sne.s32 s31, $0x7FC0;
	[tilespmem:s1+$0x5000] =	vst v0;
	s3 =	smov.u32 s31;
	s31 =	sadd.s32 $0x40, s31  }
.Ltmp0:
0x1d: {  	[tilespmem:s1+$0x7000] =	vst v1;
	(pc) =	sbr.rel @p0 .LBB2_2-.Ltmp0, $2  }
0x1e: {  	_ =	sdelay $0x2  }
0x1f: {  	s1 =	sshra.s32 s3, $0x2  }
0x20: {  	[tilespmem:s1+$0x5000] =	vst v0  }
0x21: {  	[tilespmem:s1+$0x7000] =	vst v1  }
0x22: {  	[spmem:s5] =	stream.linear.scatter [tilespmem:s26], [sflag:$0x1], $0x2000, $0x38;
	[tilespmem:$0x1D000] =	vst v63  }
0x23: {  	_ =	swait.ge [sflag:s21], $0x2000  }
0x24: {  	[sflag:s21] =	ssyncset.done $0x0  }
0x25: {  	[sflag:s21] =	ssyncadd.s32 $0xFFFFE000  }
0x26: {  	[spmem:s8] =	stream.linear.scatter [tilespmem:s26], [sflag:$0x1], $0x2000, $0x38;
	[tilespmem:$0x1D000] =	vst v63  }
0x27: {  	_ =	swait.ge [sflag:s21], $0x2000  }
0x28: {  	[sflag:s21] =	ssyncset.done $0x0  }
0x29: {  	[sflag:s21] =	ssyncadd.s32 $0xFFFFE000  }
0x2a: {  	[spmem:s9] =	stream.linear.scatter [tilespmem:s26], [sflag:$0x1], $0x2000, $0x38;
	[tilespmem:$0x1D000] =	vst v63  }
0x2b: {  	_ =	swait.ge [sflag:s21], $0x2000  }
0x2c: {  	[sflag:s21] =	ssyncset.done $0x0  }
0x2d: {  	[sflag:s21] =	ssyncadd.s32 $0xFFFFE000  }
0x2e: {  	[spmem:s10] =	stream.linear.scatter [tilespmem:s26], [sflag:$0x1], $0x2000, $0x38;
	[tilespmem:$0x1D000] =	vst v63  }
0x2f: {  	_ =	swait.ge [sflag:s21], $0x2000  }
0x30: {  	[sflag:s21] =	ssyncset.done $0x0  }
0x31: {  	[sflag:s21] =	ssyncadd.s32 $0xFFFFE000  }
0x32: {  	[spmem:s11] =	stream.linear.scatter [tilespmem:s26], [sflag:$0x1], $0x2000, $0x38;
	[tilespmem:$0x1D000] =	vst v63  }
0x33: {  	_ =	swait.ge [sflag:s21], $0x2000  }
0x34: {  	[sflag:s21] =	ssyncset.done $0x0  }
0x35: {  	[sflag:s21] =	ssyncadd.s32 $0xFFFFE000  }
0x36: {  	[spmem:s12] =	stream.linear.scatter [tilespmem:s26], [sflag:$0x1], $0x2000, $0x38;
	[tilespmem:$0x1D000] =	vst v63  }
0x37: {  	_ =	swait.ge [sflag:s21], $0x2000  }
0x38: {  	[sflag:s21] =	ssyncset.done $0x0  }
0x39: {  	[sflag:s21] =	ssyncadd.s32 $0xFFFFE000  }
0x3a: {  	[spmem:s13] =	stream.linear.scatter [tilespmem:s26], [sflag:$0x1], $0x2000, $0x38;
	[tilespmem:$0x1D000] =	vst v63  }
0x3b: {  	_ =	swait.ge [sflag:s21], $0x2000  }
0x3c: {  	[sflag:s21] =	ssyncset.done $0x0  }
0x3d: {  	[sflag:s21] =	ssyncadd.s32 $0xFFFFE000  }
0x3e: {  	[spmem:s14] =	stream.linear.scatter [tilespmem:s26], [sflag:$0x1], $0x2000, $0x38;
	[tilespmem:$0x1D000] =	vst v63  }
0x3f: {  	_ =	swait.ge [sflag:s21], $0x2000  }
0x40: {  	[sflag:s21] =	ssyncset.done $0x0  }
0x41: {  	[sflag:s21] =	ssyncadd.s32 $0xFFFFE000  }
0x42: {  	[spmem:s15] =	stream.linear.scatter [tilespmem:s26], [sflag:$0x1], $0x2000, $0x38;
	[tilespmem:$0x1D000] =	vst v63  }
0x43: {  	_ =	swait.ge [sflag:s21], $0x2000  }
0x44: {  	[sflag:s21] =	ssyncset.done $0x0  }
0x45: {  	[sflag:s21] =	ssyncadd.s32 $0xFFFFE000  }
0x46: {  	[spmem:s16] =	stream.linear.scatter [tilespmem:s26], [sflag:$0x1], $0x2000, $0x38;
	[tilespmem:$0x1D000] =	vst v63  }
0x47: {  	_ =	swait.ge [sflag:s21], $0x2000  }
0x48: {  	[sflag:s21] =	ssyncset.done $0x0  }
0x49: {  	[sflag:s21] =	ssyncadd.s32 $0xFFFFE000  }
0x4a: {  	s3 =	simm.s32 $0x0;
	[bflag:$0x0] =	sbarrier.arrive $0xFFFF  }
0x4b: {  	[spmem:s2] =	stream.indirect.scatter.add.f32 [tilespmem:s29], [sflag:$0x1], $0x80, s3, s28, $0xb8;
	[tilespmem:$0x1D000] =	vst v63  }
0x4c: {  	_ =	swait.ge [sflag:s21], $0x2000  }
0x4d: {  	s31 =	simm.s32 $0x200;
	[sflag:s21] =	ssyncset.done $0x0  }
.LBB2_4:
0x4e: {  	s1 =	sshra.s32 s31, $0x2;
	[sflag:s21] =	ssyncadd.s32 $0xFFFFE000;
	p0 =	sne.s32 s31, $0x13E00  }
0x4f: {  	[spmem:s2] =	stream.indirect.scatter.add.f32 [tilespmem:s29], [sflag:$0x1], $0x80, s1, s28, $0xb8;
	[tilespmem:$0x1D000] =	vst v63  }
.Ltmp1:
0x50: {  	_ = 	snop;
	(pc) =	sbr.rel @p0 .LBB2_4-.Ltmp1, $4  }
0x51: {  	_ = 	snop  }
0x52: {  	s31 =	sadd.s32 $0x200, s31  }
0x53: {  	_ =	swait.ge [sflag:s21], $0x2000  }
0x54: {  	[sflag:s21] =	ssyncset.done $0x0  }
0x55: {  	[sflag:s21] =	ssyncadd.s32 $0xFFFFE000;
	s1 =	sshll.u32 s0, $0x6  }
0x56: {  	s3 =	sshrl.u32 s5, $0x3;
	[bflag:$0x0] =	sbarrier.arrive $0xFFFF;
	s1 =	sor.u32 $0x1C01, s1  }
0x57: {  	[hbm:s6], [sflag:s1] =	dma.local [spmem:s3], $0x800  }
0x58: {  	_ =	swait.ge [sflag:s21], $0x800  }
0x59: {  	[sflag:s21] =	ssyncset.done $0x0  }
0x5a: {  	[sflag:s21] =	ssyncadd.s32 $0xFFFFF800  }
0x5b: {  	[hbm:s17], [sflag:s1] =	dma.local [spmem:s22], $0x800  }
0x5c: {  	_ =	swait.ge [sflag:s21], $0x800  }
0x5d: {  	[sflag:s21] =	ssyncset.done $0x0  }
0x5e: {  	[sflag:s21] =	ssyncadd.s32 $0xFFFFF800  }
0x5f: {  	[hbm:s18], [sflag:s1] =	dma.local [spmem:s23], $0x800  }
0x60: {  	_ =	swait.ge [sflag:s21], $0x800  }
0x61: {  	[sflag:s21] =	ssyncset.done $0x0  }
0x62: {  	[sflag:s21] =	ssyncadd.s32 $0xFFFFF800  }
0x63: {  	[hbm:s19], [sflag:s1] =	dma.local [spmem:s24], $0x800  }
0x64: {  	s30 =	sadd.s32 $0x1, s30;
	_ =	swait.ge [sflag:s21], $0x800  }
0x65: {  	p0 =	sne.s32 s30, s7;
	[sflag:s21] =	ssyncset.done $0x0  }
.Ltmp2:
0x66: {  	[sflag:s21] =	ssyncadd.s32 $0xFFFFF800;
	(pc) =	sbr.rel @p0 .LBB2_1-.Ltmp2, $4  }
0x67: {  	[hbm:s20], [sflag:s1] =	dma.local [spmem:s25], $0x800  }
0x68: {  	_ =	swait.ge [sflag:s21], $0x800  }
0x69: {  	[sflag:s21] =	ssyncset.done $0x0  }
0x6a: {  	[sflag:s21] =	ssyncadd.s32 $0xFFFFF800  }
0x6b: {  	_ =	sfence.sel $0x180000  }
0x6c: {  	[bflag:$0x0] =	sbarrier.arrive $0xFFFF  }
0x6d: {  	_ =	strace $0x9000004A  }
0x6e: {  	[bflag:$0x2] =	sbarrier.arrive $0xFFFF  }
0x6f: {  	p0 =	sne.s32 s0, $0x0;
	s0 =	rddreg [dreg:$0x2]  }
0x70: {  	s0 =	sadd.s32 @!p0 $0x100000, s0  }
0x71: {  	[sflag:s0] =	ssyncadd.tile.s32 @!p0 $0x1;
	_ =	shalt  }
.Lfunc_end2:
_tile_overlayer_lowered:
.L_overlay_start_2:
0x72: {  	(tag) =	ssettag $0x2  }
0x73: {  	s0 =	rddreg [dreg:$0x0];
	s2 =	stileid.u32  }
0x74: {  	s1 =	rddreg [dreg:$0x1];
	p0 =	sne.s32 s2, $0x0  }
0x75: {  	s3 =	rddreg [dreg:$0x2];
	[bflag:$0x3] =	sbarrier.arrive $0xFFFF;
	s2 =	simm.s32 @!p0 $0x1C01  }
0x76: {  	[timem:s3], [sflag:s2] =	dma.local @!p0 [hbm:s0], s1  }
0x77: {  	s0 =	simm.s32 @!p0 $0x1  }
0x78: {  	_ =	swait.ge @!p0 [sflag:s0], s1  }
0x79: {  	s1 =	ssub.s32 @!p0 $0x0, s1;
	[sflag:s0] =	ssyncset.done @!p0 $0x0  }
0x7a: {  	[sflag:s0] =	ssyncadd.s32 @!p0 s1  }
0x7b: {  	[bflag:$0x3] =	sbarrier.arrive $0xFFFF  }
0x7c: {  	_ =	shalt  }

</sc_bundles>
